<compile_context>
chip_gen: v7x
topology: tpu7x:2x2x1
jax: 0.10.2.dev20260603
libtpu: 0.0.44.dev20260713+nightly
codegen_flags: <defaults>
</compile_context>

<pallas_src>
import functools

import jax
import jax.numpy as jnp
from jax import lax
from jax.experimental import pallas as pl
from jax.experimental.pallas import tpu as pltpu
from jax.experimental.pallas import tpu_sc as plsc

N = 10000
E = 320000
LANES = 16
CHUNK = 128
NCHUNKS = E // CHUNK
NWORKERS = 32
RPW = 79
EPW = RPW * CHUNK

_mesh = plsc.VectorSubcoreMesh(core_axis_name="c", subcore_axis_name="s")


@functools.partial(
    pl.kernel,
    out_type=(),
    mesh=_mesh,
    scratch_types=[
        pltpu.VMEM((EPW,), jnp.int32),
        pltpu.VMEM((EPW,), jnp.int32),
        pltpu.VMEM((EPW,), jnp.int32),
        pltpu.VMEM((EPW,), jnp.int32),
        pltpu.VMEM((EPW,), jnp.float32),
        pltpu.SemaphoreType.DMA,
    ],
)
def _scatter_edges(adj_ref, e0_hbm, e1_hbm, vals_hbm,
                   e0_v, e1_v, idx1_v, idx2_v, vals_v, ssem):
    w = lax.axis_index("s") * 2 + lax.axis_index("c")
    start_chunk = jnp.minimum(w * NCHUNKS // NWORKERS, NCHUNKS - RPW)
    base = start_chunk * CHUNK
    pltpu.sync_copy(e0_hbm.at[pl.ds(base, EPW)], e0_v)
    pltpu.sync_copy(e1_hbm.at[pl.ds(base, EPW)], e1_v)
    pltpu.sync_copy(vals_hbm, vals_v)

    def compute(r, carry):
        for k in range(CHUNK // LANES):
            off = r * CHUNK + k * LANES
            a = e0_v[pl.ds(off, LANES)]
            b = e1_v[pl.ds(off, LANES)]
            idx1_v[pl.ds(off, LANES)] = a * N + b
            idx2_v[pl.ds(off, LANES)] = b * N + a
        return carry

    lax.fori_loop(0, RPW, compute, 0)
    pltpu.async_copy(vals_v, adj_ref.at[idx1_v], ssem)
    pltpu.async_copy(vals_v, adj_ref.at[idx2_v], ssem)
    pltpu.make_async_copy(vals_v, adj_ref.at[idx1_v], ssem).wait()
    pltpu.make_async_copy(vals_v, adj_ref.at[idx2_v], ssem).wait()


_ROWS_PER_BLK = 200


def _norm_body(x_ref, o_ref):
    x = x_ref[...]
    s = jnp.sum(x, axis=1, keepdims=True)
    o_ref[...] = x / (s + 1e-10)


_normalize = pl.pallas_call(
    _norm_body,
    grid=(pl.cdiv(N, _ROWS_PER_BLK),),
    in_specs=[pl.BlockSpec((_ROWS_PER_BLK, N), lambda b: (b, 0))],
    out_specs=pl.BlockSpec((_ROWS_PER_BLK, N), lambda b: (b, 0)),
    out_shape=jax.ShapeDtypeStruct((N, N), jnp.float32),
)


def kernel(pos_edge_index, neg_edge_index, num_nodes):
    del num_nodes
    adj_ref = jax.new_ref(jnp.zeros((N * N,), jnp.float32))
    ones = jnp.ones((EPW,), jnp.float32)
    _scatter_edges(adj_ref, pos_edge_index[0], pos_edge_index[1], ones)
    _scatter_edges(adj_ref, neg_edge_index[0], neg_edge_index[1], -ones)
    adj = jax.freeze(adj_ref).reshape(N, N)
    return _normalize(adj)

# --- scband reference (transcript-rebuilt; emitter-appended) ---
"""Pipeline reference for scband-adjencoding-82437602280125 (READ-ONLY COPY).

The authoritative reference and input builder live on the scoring server;
editing this copy changes nothing except your own understanding.
"""

import jax, jax.numpy as jnp
import numpy as np


def setup_inputs(seed: int = 0) -> dict:
    key = jax.random.key(seed)
    k1, k2 = jax.random.split(key)
    n_nodes = 10000
    n_edges = 320000
    pos_edge_index = jax.random.randint(k1, (2, n_edges), 0, n_nodes, dtype=jnp.int32)
    neg_edge_index = jax.random.randint(k2, (2, n_edges), 0, n_nodes, dtype=jnp.int32)
    return {
        "pos_edge_index": pos_edge_index,
        "neg_edge_index": neg_edge_index,
        "num_nodes": n_nodes,
    }


def reference(pos_edge_index, neg_edge_index, num_nodes):
    N = 10000
    adj = jnp.zeros((N, N), dtype=jnp.float32)

    p0, p1 = pos_edge_index[0], pos_edge_index[1]
    n0, n1 = neg_edge_index[0], neg_edge_index[1]

    nn = jnp.asarray(num_nodes).astype(p0.dtype)

    # Filter edges whose endpoints are >= N by remapping them to an
    # out-of-bounds index (N); jax scatter in 'drop' mode ignores them.
    pos_mask = (p0 < nn) & (p1 < nn)
    neg_mask = (n0 < nn) & (n1 < nn)
    p0f = jnp.where(pos_mask, p0, nn)
    p1f = jnp.where(pos_mask, p1, nn)
    n0f = jnp.where(neg_mask, n0, nn)
    n1f = jnp.where(neg_mask, n1, nn)

    # scatter-overwrite, same order as the torch module
    adj = adj.at[p0f, p1f].set(1.0, mode="drop")
    adj = adj.at[p1f, p0f].set(1.0, mode="drop")
    adj = adj.at[n0f, n1f].set(-1.0, mode="drop")
    adj = adj.at[n1f, n0f].set(-1.0, mode="drop")

    row_sum = adj.sum(axis=1, keepdims=True)
    epsilon = 1e-10
    normalized_adj = adj / (row_sum + epsilon)
    return normalized_adj

if __name__ == "__main__":
    import jax
    _d = setup_inputs()
    print(jax.jit(kernel)(*tuple(_d.values())))

</pallas_src>

<mosaic_0001>
#map = affine_map<(d0, d1) -> (0)>
module attributes {stable_mosaic.version = 14 : i64} {
  func.func @new_body(%arg0: i32, %arg1: i32, %arg2: memref<100000000xf32, #tpu.memory_space<hbm>>, %arg3: memref<320000xi32, #tpu.memory_space<hbm>>, %arg4: memref<320000xi32, #tpu.memory_space<hbm>>, %arg5: memref<10112xf32, #tpu.memory_space<hbm>>, %arg6: memref<100000000xf32, #tpu.memory_space<hbm>>, %arg7: memref<10112xi32, #tpu.memory_space<vmem>>, %arg8: memref<10112xi32, #tpu.memory_space<vmem>>, %arg9: memref<10112xi32, #tpu.memory_space<vmem>>, %arg10: memref<10112xi32, #tpu.memory_space<vmem>>, %arg11: memref<10112xf32, #tpu.memory_space<vmem>>, %arg12: memref<!tpu.dma_semaphore, #tpu.memory_space<semaphore_mem>>) attributes {dimension_semantics = [#tpu.dimension_semantics<core_parallel>, #tpu.dimension_semantics<subcore_parallel>], iteration_bounds = array<i64: 2, 16>, scalar_prefetch = 0 : i64, scratch_operands = 6 : i64, tpu.core_type = #tpu.core_type<sc_vector_subcore>, window_params = [{transform_indices = #map}, {transform_indices = #map}, {transform_indices = #map}, {transform_indices = #map}, {transform_indices = #map}]} {
    %mul3A = arith.constant 2 : i32
    %mul3A_0 = arith.muli %arg1, %mul3A : i32
    %add3A = arith.addi %mul3A_0, %arg0 : i32
    %mul3A_1 = arith.constant 2500 : i32
    %mul3A_2 = arith.muli %add3A, %mul3A_1 : i32
    %jit3A = arith.constant 32 : i32
    %div3A = arith.divsi %mul3A_2, %jit3A : i32
    %sign3A = arith.constant 0 : i32
    %sign3A_3 = arith.cmpi sgt, %mul3A_2, %sign3A : i32
    %sign3A_4 = arith.extui %sign3A_3 : i1 to i32
    %sign3A_5 = arith.constant 0 : i32
    %sign3A_6 = arith.cmpi slt, %mul3A_2, %sign3A_5 : i32
    %sign3A_7 = arith.extui %sign3A_6 : i1 to i32
    %sign3A_8 = arith.subi %sign3A_4, %sign3A_7 : i32
    %sign3A_9 = arith.constant 0 : i32
    %sign3A_10 = arith.cmpi sgt, %jit3A, %sign3A_9 : i32
    %sign3A_11 = arith.extui %sign3A_10 : i1 to i32
    %sign3A_12 = arith.constant 0 : i32
    %sign3A_13 = arith.cmpi slt, %jit3A, %sign3A_12 : i32
    %sign3A_14 = arith.extui %sign3A_13 : i1 to i32
    %sign3A_15 = arith.subi %sign3A_11, %sign3A_14 : i32
    %ne3A = arith.cmpi ne, %sign3A_8, %sign3A_15 : i32
    %rem3A = arith.remsi %mul3A_2, %jit3A : i32
    %ne3A_16 = arith.constant 0 : i32
    %ne3A_17 = arith.cmpi ne, %rem3A, %ne3A_16 : i32
    %and3A = arith.andi %ne3A, %ne3A_17 : i1
    %sub3A = arith.constant 1 : i32
    %sub3A_18 = arith.subi %div3A, %sub3A : i32
    %select_n3A = arith.select %and3A, %sub3A_18, %div3A : i32
    %min3A = arith.constant 2421 : i32
    %min3A_19 = arith.minsi %select_n3A, %min3A : i32
    %mul3A_20 = arith.constant 128 : i32
    %mul3A_21 = arith.muli %min3A_19, %mul3A_20 : i32
    "tpu.region"() ({
      %run_scoped3A = tpu.sem_alloc : memref<!tpu.dma_semaphore, #tpu.memory_space<semaphore_mem>>
      %dma_start3A_33 = tpu.memref_slice %arg3[%mul3A_21] : memref<320000xi32, #tpu.memory_space<hbm>> -> memref<10112xi32, #tpu.memory_space<hbm>>
      %dma_start3A_34 = tpu.memref_slice %arg3[%mul3A_21] : memref<320000xi32, #tpu.memory_space<hbm>> -> memref<10112xi32, #tpu.memory_space<hbm>>
      tpu.enqueue_dma source(%dma_start3A_34 : memref<10112xi32, #tpu.memory_space<hbm>>) target(%arg7 : memref<10112xi32, #tpu.memory_space<vmem>>) target_semaphore(%run_scoped3A : memref<!tpu.dma_semaphore, #tpu.memory_space<semaphore_mem>>)
      %dma_wait3A_35 = tpu.memref_slice %arg3[%mul3A_21] : memref<320000xi32, #tpu.memory_space<hbm>> -> memref<10112xi32, #tpu.memory_space<hbm>>
      %dma_wait3A_36 = tpu.memref_slice %arg3[%mul3A_21] : memref<320000xi32, #tpu.memory_space<hbm>> -> memref<10112xi32, #tpu.memory_space<hbm>>
      tpu.wait_dma2 semaphore(%run_scoped3A : memref<!tpu.dma_semaphore, #tpu.memory_space<semaphore_mem>>) src(%dma_wait3A_36 : memref<10112xi32, #tpu.memory_space<hbm>>) dst(%arg7 : memref<10112xi32, #tpu.memory_space<vmem>>)
      tpu.yield
    }) : () -> ()
    "tpu.region"() ({
      %run_scoped3A = tpu.sem_alloc : memref<!tpu.dma_semaphore, #tpu.memory_space<semaphore_mem>>
      %dma_start3A_33 = tpu.memref_slice %arg4[%mul3A_21] : memref<320000xi32, #tpu.memory_space<hbm>> -> memref<10112xi32, #tpu.memory_space<hbm>>
      %dma_start3A_34 = tpu.memref_slice %arg4[%mul3A_21] : memref<320000xi32, #tpu.memory_space<hbm>> -> memref<10112xi32, #tpu.memory_space<hbm>>
      tpu.enqueue_dma source(%dma_start3A_34 : memref<10112xi32, #tpu.memory_space<hbm>>) target(%arg8 : memref<10112xi32, #tpu.memory_space<vmem>>) target_semaphore(%run_scoped3A : memref<!tpu.dma_semaphore, #tpu.memory_space<semaphore_mem>>)
      %dma_wait3A_35 = tpu.memref_slice %arg4[%mul3A_21] : memref<320000xi32, #tpu.memory_space<hbm>> -> memref<10112xi32, #tpu.memory_space<hbm>>
      %dma_wait3A_36 = tpu.memref_slice %arg4[%mul3A_21] : memref<320000xi32, #tpu.memory_space<hbm>> -> memref<10112xi32, #tpu.memory_space<hbm>>
      tpu.wait_dma2 semaphore(%run_scoped3A : memref<!tpu.dma_semaphore, #tpu.memory_space<semaphore_mem>>) src(%dma_wait3A_36 : memref<10112xi32, #tpu.memory_space<hbm>>) dst(%arg8 : memref<10112xi32, #tpu.memory_space<vmem>>)
      tpu.yield
    }) : () -> ()
    "tpu.region"() ({
      %run_scoped3A = tpu.sem_alloc : memref<!tpu.dma_semaphore, #tpu.memory_space<semaphore_mem>>
      tpu.enqueue_dma source(%arg5 : memref<10112xf32, #tpu.memory_space<hbm>>) target(%arg11 : memref<10112xf32, #tpu.memory_space<vmem>>) target_semaphore(%run_scoped3A : memref<!tpu.dma_semaphore, #tpu.memory_space<semaphore_mem>>)
      tpu.wait_dma2 semaphore(%run_scoped3A : memref<!tpu.dma_semaphore, #tpu.memory_space<semaphore_mem>>) src(%arg5 : memref<10112xf32, #tpu.memory_space<hbm>>) dst(%arg11 : memref<10112xf32, #tpu.memory_space<vmem>>)
      tpu.yield
    }) : () -> ()
    %scan3A = arith.constant 0 : i32
    %scan3A_22 = arith.constant 0 : i32
    %scan3A_23 = arith.constant 79 : i32
    %scan3A_24 = arith.addi %scan3A_22, %scan3A_23 : i32
    %scan3A_25 = arith.constant 1 : i32
    scf.for %scan3A_33 = %scan3A_22 to %scan3A_24 step %scan3A_25  : i32 {
      %mul3A_34 = arith.constant 128 : i32
      %mul3A_35 = arith.muli %scan3A_33, %mul3A_34 : i32
      %add3A_36 = arith.constant 0 : i32
      %add3A_37 = arith.addi %mul3A_35, %add3A_36 : i32
      %get3A = arith.index_cast %add3A_37 : i32 to index
      %get3A_38 = tpu.vector_load %arg7[%get3A] {strides = array<i32>} : memref<10112xi32, #tpu.memory_space<vmem>>, vector<16xi32>,
      %get3A_39 = vector.shape_cast %get3A_38 : vector<16xi32> to vector<16xi32>
      %get3A_40 = arith.index_cast %add3A_37 : i32 to index
      %get3A_41 = tpu.vector_load %arg8[%get3A_40] {strides = array<i32>} : memref<10112xi32, #tpu.memory_space<vmem>>, vector<16xi32>,
      %get3A_42 = vector.shape_cast %get3A_41 : vector<16xi32> to vector<16xi32>
      %mul3A_43 = arith.constant 10000 : i32
      %mul3A_44 = vector.broadcast %mul3A_43 : i32 to vector<16xi32>
      %mul3A_45 = arith.muli %get3A_39, %mul3A_44 : vector<16xi32>
      %add3A_46 = arith.addi %mul3A_45, %get3A_42 : vector<16xi32>
      %swap3A = arith.index_cast %add3A_37 : i32 to index
      %swap3A_47 = tpu.vector_load %arg9[%swap3A] {strides = array<i32>} : memref<10112xi32, #tpu.memory_space<vmem>>, vector<16xi32>,
      %swap3A_48 = vector.shape_cast %swap3A_47 : vector<16xi32> to vector<16xi32>
      %swap3A_49 = vector.shape_cast %add3A_46 : vector<16xi32> to vector<16xi32>
      tpu.vector_store %arg9[%swap3A], %swap3A_49 {strides = array<i32>} : memref<10112xi32, #tpu.memory_space<vmem>>, vector<16xi32>,
      %mul3A_50 = arith.constant 10000 : i32
      %mul3A_51 = vector.broadcast %mul3A_50 : i32 to vector<16xi32>
      %mul3A_52 = arith.muli %get3A_42, %mul3A_51 : vector<16xi32>
      %add3A_53 = arith.addi %mul3A_52, %get3A_39 : vector<16xi32>
      %swap3A_54 = arith.index_cast %add3A_37 : i32 to index
      %swap3A_55 = tpu.vector_load %arg10[%swap3A_54] {strides = array<i32>} : memref<10112xi32, #tpu.memory_space<vmem>>, vector<16xi32>,
      %swap3A_56 = vector.shape_cast %swap3A_55 : vector<16xi32> to vector<16xi32>
      %swap3A_57 = vector.shape_cast %add3A_53 : vector<16xi32> to vector<16xi32>
      tpu.vector_store %arg10[%swap3A_54], %swap3A_57 {strides = array<i32>} : memref<10112xi32, #tpu.memory_space<vmem>>, vector<16xi32>,
      %mul3A_58 = arith.constant 128 : i32
      %mul3A_59 = arith.muli %scan3A_33, %mul3A_58 : i32
      %add3A_60 = arith.constant 16 : i32
      %add3A_61 = arith.addi %mul3A_59, %add3A_60 : i32
      %get3A_62 = arith.index_cast %add3A_61 : i32 to index
      %get3A_63 = tpu.vector_load %arg7[%get3A_62] {strides = array<i32>} : memref<10112xi32, #tpu.memory_space<vmem>>, vector<16xi32>,
      %get3A_64 = vector.shape_cast %get3A_63 : vector<16xi32> to vector<16xi32>
      %get3A_65 = arith.index_cast %add3A_61 : i32 to index
      %get3A_66 = tpu.vector_load %arg8[%get3A_65] {strides = array<i32>} : memref<10112xi32, #tpu.memory_space<vmem>>, vector<16xi32>,
      %get3A_67 = vector.shape_cast %get3A_66 : vector<16xi32> to vector<16xi32>
      %mul3A_68 = arith.constant 10000 : i32
      %mul3A_69 = vector.broadcast %mul3A_68 : i32 to vector<16xi32>
      %mul3A_70 = arith.muli %get3A_64, %mul3A_69 : vector<16xi32>
      %add3A_71 = arith.addi %mul3A_70, %get3A_67 : vector<16xi32>
      %swap3A_72 = arith.index_cast %add3A_61 : i32 to index
      %swap3A_73 = tpu.vector_load %arg9[%swap3A_72] {strides = array<i32>} : memref<10112xi32, #tpu.memory_space<vmem>>, vector<16xi32>,
      %swap3A_74 = vector.shape_cast %swap3A_73 : vector<16xi32> to vector<16xi32>
      %swap3A_75 = vector.shape_cast %add3A_71 : vector<16xi32> to vector<16xi32>
      tpu.vector_store %arg9[%swap3A_72], %swap3A_75 {strides = array<i32>} : memref<10112xi32, #tpu.memory_space<vmem>>, vector<16xi32>,
      %mul3A_76 = arith.constant 10000 : i32
      %mul3A_77 = vector.broadcast %mul3A_76 : i32 to vector<16xi32>
      %mul3A_78 = arith.muli %get3A_67, %mul3A_77 : vector<16xi32>
      %add3A_79 = arith.addi %mul3A_78, %get3A_64 : vector<16xi32>
      %swap3A_80 = arith.index_cast %add3A_61 : i32 to index
      %swap3A_81 = tpu.vector_load %arg10[%swap3A_80] {strides = array<i32>} : memref<10112xi32, #tpu.memory_space<vmem>>, vector<16xi32>,
      %swap3A_82 = vector.shape_cast %swap3A_81 : vector<16xi32> to vector<16xi32>
      %swap3A_83 = vector.shape_cast %add3A_79 : vector<16xi32> to vector<16xi32>
      tpu.vector_store %arg10[%swap3A_80], %swap3A_83 {strides = array<i32>} : memref<10112xi32, #tpu.memory_space<vmem>>, vector<16xi32>,
      %mul3A_84 = arith.constant 128 : i32
      %mul3A_85 = arith.muli %scan3A_33, %mul3A_84 : i32
      %add3A_86 = arith.constant 32 : i32
      %add3A_87 = arith.addi %mul3A_85, %add3A_86 : i32
      %get3A_88 = arith.index_cast %add3A_87 : i32 to index
      %get3A_89 = tpu.vector_load %arg7[%get3A_88] {strides = array<i32>} : memref<10112xi32, #tpu.memory_space<vmem>>, vector<16xi32>,
      %get3A_90 = vector.shape_cast %get3A_89 : vector<16xi32> to vector<16xi32>
      %get3A_91 = arith.index_cast %add3A_87 : i32 to index
      %get3A_92 = tpu.vector_load %arg8[%get3A_91] {strides = array<i32>} : memref<10112xi32, #tpu.memory_space<vmem>>, vector<16xi32>,
      %get3A_93 = vector.shape_cast %get3A_92 : vector<16xi32> to vector<16xi32>
      %mul3A_94 = arith.constant 10000 : i32
      %mul3A_95 = vector.broadcast %mul3A_94 : i32 to vector<16xi32>
      %mul3A_96 = arith.muli %get3A_90, %mul3A_95 : vector<16xi32>
      %add3A_97 = arith.addi %mul3A_96, %get3A_93 : vector<16xi32>
      %swap3A_98 = arith.index_cast %add3A_87 : i32 to index
      %swap3A_99 = tpu.vector_load %arg9[%swap3A_98] {strides = array<i32>} : memref<10112xi32, #tpu.memory_space<vmem>>, vector<16xi32>,
      %swap3A_100 = vector.shape_cast %swap3A_99 : vector<16xi32> to vector<16xi32>
      %swap3A_101 = vector.shape_cast %add3A_97 : vector<16xi32> to vector<16xi32>
      tpu.vector_store %arg9[%swap3A_98], %swap3A_101 {strides = array<i32>} : memref<10112xi32, #tpu.memory_space<vmem>>, vector<16xi32>,
      %mul3A_102 = arith.constant 10000 : i32
      %mul3A_103 = vector.broadcast %mul3A_102 : i32 to vector<16xi32>
      %mul3A_104 = arith.muli %get3A_93, %mul3A_103 : vector<16xi32>
      %add3A_105 = arith.addi %mul3A_104, %get3A_90 : vector<16xi32>
      %swap3A_106 = arith.index_cast %add3A_87 : i32 to index
      %swap3A_107 = tpu.vector_load %arg10[%swap3A_106] {strides = array<i32>} : memref<10112xi32, #tpu.memory_space<vmem>>, vector<16xi32>,
      %swap3A_108 = vector.shape_cast %swap3A_107 : vector<16xi32> to vector<16xi32>
      %swap3A_109 = vector.shape_cast %add3A_105 : vector<16xi32> to vector<16xi32>
      tpu.vector_store %arg10[%swap3A_106], %swap3A_109 {strides = array<i32>} : memref<10112xi32, #tpu.memory_space<vmem>>, vector<16xi32>,
      %mul3A_110 = arith.constant 128 : i32
      %mul3A_111 = arith.muli %scan3A_33, %mul3A_110 : i32
      %add3A_112 = arith.constant 48 : i32
      %add3A_113 = arith.addi %mul3A_111, %add3A_112 : i32
      %get3A_114 = arith.index_cast %add3A_113 : i32 to index
      %get3A_115 = tpu.vector_load %arg7[%get3A_114] {strides = array<i32>} : memref<10112xi32, #tpu.memory_space<vmem>>, vector<16xi32>,
      %get3A_116 = vector.shape_cast %get3A_115 : vector<16xi32> to vector<16xi32>
      %get3A_117 = arith.index_cast %add3A_113 : i32 to index
      %get3A_118 = tpu.vector_load %arg8[%get3A_117] {strides = array<i32>} : memref<10112xi32, #tpu.memory_space<vmem>>, vector<16xi32>,
      %get3A_119 = vector.shape_cast %get3A_118 : vector<16xi32> to vector<16xi32>
      %mul3A_120 = arith.constant 10000 : i32
      %mul3A_121 = vector.broadcast %mul3A_120 : i32 to vector<16xi32>
      %mul3A_122 = arith.muli %get3A_116, %mul3A_121 : vector<16xi32>
      %add3A_123 = arith.addi %mul3A_122, %get3A_119 : vector<16xi32>
      %swap3A_124 = arith.index_cast %add3A_113 : i32 to index
      %swap3A_125 = tpu.vector_load %arg9[%swap3A_124] {strides = array<i32>} : memref<10112xi32, #tpu.memory_space<vmem>>, vector<16xi32>,
      %swap3A_126 = vector.shape_cast %swap3A_125 : vector<16xi32> to vector<16xi32>
      %swap3A_127 = vector.shape_cast %add3A_123 : vector<16xi32> to vector<16xi32>
      tpu.vector_store %arg9[%swap3A_124], %swap3A_127 {strides = array<i32>} : memref<10112xi32, #tpu.memory_space<vmem>>, vector<16xi32>,
      %mul3A_128 = arith.constant 10000 : i32
      %mul3A_129 = vector.broadcast %mul3A_128 : i32 to vector<16xi32>
      %mul3A_130 = arith.muli %get3A_119, %mul3A_129 : vector<16xi32>
      %add3A_131 = arith.addi %mul3A_130, %get3A_116 : vector<16xi32>
      %swap3A_132 = arith.index_cast %add3A_113 : i32 to index
      %swap3A_133 = tpu.vector_load %arg10[%swap3A_132] {strides = array<i32>} : memref<10112xi32, #tpu.memory_space<vmem>>, vector<16xi32>,
      %swap3A_134 = vector.shape_cast %swap3A_133 : vector<16xi32> to vector<16xi32>
      %swap3A_135 = vector.shape_cast %add3A_131 : vector<16xi32> to vector<16xi32>
      tpu.vector_store %arg10[%swap3A_132], %swap3A_135 {strides = array<i32>} : memref<10112xi32, #tpu.memory_space<vmem>>, vector<16xi32>,
      %mul3A_136 = arith.constant 128 : i32
      %mul3A_137 = arith.muli %scan3A_33, %mul3A_136 : i32
      %add3A_138 = arith.constant 64 : i32
      %add3A_139 = arith.addi %mul3A_137, %add3A_138 : i32
      %get3A_140 = arith.index_cast %add3A_139 : i32 to index
      %get3A_141 = tpu.vector_load %arg7[%get3A_140] {strides = array<i32>} : memref<10112xi32, #tpu.memory_space<vmem>>, vector<16xi32>,
      %get3A_142 = vector.shape_cast %get3A_141 : vector<16xi32> to vector<16xi32>
      %get3A_143 = arith.index_cast %add3A_139 : i32 to index
      %get3A_144 = tpu.vector_load %arg8[%get3A_143] {strides = array<i32>} : memref<10112xi32, #tpu.memory_space<vmem>>, vector<16xi32>,
      %get3A_145 = vector.shape_cast %get3A_144 : vector<16xi32> to vector<16xi32>
      %mul3A_146 = arith.constant 10000 : i32
      %mul3A_147 = vector.broadcast %mul3A_146 : i32 to vector<16xi32>
      %mul3A_148 = arith.muli %get3A_142, %mul3A_147 : vector<16xi32>
      %add3A_149 = arith.addi %mul3A_148, %get3A_145 : vector<16xi32>
      %swap3A_150 = arith.index_cast %add3A_139 : i32 to index
      %swap3A_151 = tpu.vector_load %arg9[%swap3A_150] {strides = array<i32>} : memref<10112xi32, #tpu.memory_space<vmem>>, vector<16xi32>,
      %swap3A_152 = vector.shape_cast %swap3A_151 : vector<16xi32> to vector<16xi32>
      %swap3A_153 = vector.shape_cast %add3A_149 : vector<16xi32> to vector<16xi32>
      tpu.vector_store %arg9[%swap3A_150], %swap3A_153 {strides = array<i32>} : memref<10112xi32, #tpu.memory_space<vmem>>, vector<16xi32>,
      %mul3A_154 = arith.constant 10000 : i32
      %mul3A_155 = vector.broadcast %mul3A_154 : i32 to vector<16xi32>
      %mul3A_156 = arith.muli %get3A_145, %mul3A_155 : vector<16xi32>
      %add3A_157 = arith.addi %mul3A_156, %get3A_142 : vector<16xi32>
      %swap3A_158 = arith.index_cast %add3A_139 : i32 to index
      %swap3A_159 = tpu.vector_load %arg10[%swap3A_158] {strides = array<i32>} : memref<10112xi32, #tpu.memory_space<vmem>>, vector<16xi32>,
      %swap3A_160 = vector.shape_cast %swap3A_159 : vector<16xi32> to vector<16xi32>
      %swap3A_161 = vector.shape_cast %add3A_157 : vector<16xi32> to vector<16xi32>
      tpu.vector_store %arg10[%swap3A_158], %swap3A_161 {strides = array<i32>} : memref<10112xi32, #tpu.memory_space<vmem>>, vector<16xi32>,
      %mul3A_162 = arith.constant 128 : i32
      %mul3A_163 = arith.muli %scan3A_33, %mul3A_162 : i32
      %add3A_164 = arith.constant 80 : i32
      %add3A_165 = arith.addi %mul3A_163, %add3A_164 : i32
      %get3A_166 = arith.index_cast %add3A_165 : i32 to index
      %get3A_167 = tpu.vector_load %arg7[%get3A_166] {strides = array<i32>} : memref<10112xi32, #tpu.memory_space<vmem>>, vector<16xi32>,
      %get3A_168 = vector.shape_cast %get3A_167 : vector<16xi32> to vector<16xi32>
      %get3A_169 = arith.index_cast %add3A_165 : i32 to index
      %get3A_170 = tpu.vector_load %arg8[%get3A_169] {strides = array<i32>} : memref<10112xi32, #tpu.memory_space<vmem>>, vector<16xi32>,
      %get3A_171 = vector.shape_cast %get3A_170 : vector<16xi32> to vector<16xi32>
      %mul3A_172 = arith.constant 10000 : i32
      %mul3A_173 = vector.broadcast %mul3A_172 : i32 to vector<16xi32>
      %mul3A_174 = arith.muli %get3A_168, %mul3A_173 : vector<16xi32>
      %add3A_175 = arith.addi %mul3A_174, %get3A_171 : vector<16xi32>
      %swap3A_176 = arith.index_cast %add3A_165 : i32 to index
      %swap3A_177 = tpu.vector_load %arg9[%swap3A_176] {strides = array<i32>} : memref<10112xi32, #tpu.memory_space<vmem>>, vector<16xi32>,
      %swap3A_178 = vector.shape_cast %swap3A_177 : vector<16xi32> to vector<16xi32>
      %swap3A_179 = vector.shape_cast %add3A_175 : vector<16xi32> to vector<16xi32>
      tpu.vector_store %arg9[%swap3A_176], %swap3A_179 {strides = array<i32>} : memref<10112xi32, #tpu.memory_space<vmem>>, vector<16xi32>,
      %mul3A_180 = arith.constant 10000 : i32
      %mul3A_181 = vector.broadcast %mul3A_180 : i32 to vector<16xi32>
      %mul3A_182 = arith.muli %get3A_171, %mul3A_181 : vector<16xi32>
      %add3A_183 = arith.addi %mul3A_182, %get3A_168 : vector<16xi32>
      %swap3A_184 = arith.index_cast %add3A_165 : i32 to index
      %swap3A_185 = tpu.vector_load %arg10[%swap3A_184] {strides = array<i32>} : memref<10112xi32, #tpu.memory_space<vmem>>, vector<16xi32>,
      %swap3A_186 = vector.shape_cast %swap3A_185 : vector<16xi32> to vector<16xi32>
      %swap3A_187 = vector.shape_cast %add3A_183 : vector<16xi32> to vector<16xi32>
      tpu.vector_store %arg10[%swap3A_184], %swap3A_187 {strides = array<i32>} : memref<10112xi32, #tpu.memory_space<vmem>>, vector<16xi32>,
      %mul3A_188 = arith.constant 128 : i32
      %mul3A_189 = arith.muli %scan3A_33, %mul3A_188 : i32
      %add3A_190 = arith.constant 96 : i32
      %add3A_191 = arith.addi %mul3A_189, %add3A_190 : i32
      %get3A_192 = arith.index_cast %add3A_191 : i32 to index
      %get3A_193 = tpu.vector_load %arg7[%get3A_192] {strides = array<i32>} : memref<10112xi32, #tpu.memory_space<vmem>>, vector<16xi32>,
      %get3A_194 = vector.shape_cast %get3A_193 : vector<16xi32> to vector<16xi32>
      %get3A_195 = arith.index_cast %add3A_191 : i32 to index
      %get3A_196 = tpu.vector_load %arg8[%get3A_195] {strides = array<i32>} : memref<10112xi32, #tpu.memory_space<vmem>>, vector<16xi32>,
      %get3A_197 = vector.shape_cast %get3A_196 : vector<16xi32> to vector<16xi32>
      %mul3A_198 = arith.constant 10000 : i32
      %mul3A_199 = vector.broadcast %mul3A_198 : i32 to vector<16xi32>
      %mul3A_200 = arith.muli %get3A_194, %mul3A_199 : vector<16xi32>
      %add3A_201 = arith.addi %mul3A_200, %get3A_197 : vector<16xi32>
      %swap3A_202 = arith.index_cast %add3A_191 : i32 to index
      %swap3A_203 = tpu.vector_load %arg9[%swap3A_202] {strides = array<i32>} : memref<10112xi32, #tpu.memory_space<vmem>>, vector<16xi32>,
      %swap3A_204 = vector.shape_cast %swap3A_203 : vector<16xi32> to vector<16xi32>
      %swap3A_205 = vector.shape_cast %add3A_201 : vector<16xi32> to vector<16xi32>
      tpu.vector_store %arg9[%swap3A_202], %swap3A_205 {strides = array<i32>} : memref<10112xi32, #tpu.memory_space<vmem>>, vector<16xi32>,
      %mul3A_206 = arith.constant 10000 : i32
      %mul3A_207 = vector.broadcast %mul3A_206 : i32 to vector<16xi32>
      %mul3A_208 = arith.muli %get3A_197, %mul3A_207 : vector<16xi32>
      %add3A_209 = arith.addi %mul3A_208, %get3A_194 : vector<16xi32>
      %swap3A_210 = arith.index_cast %add3A_191 : i32 to index
      %swap3A_211 = tpu.vector_load %arg10[%swap3A_210] {strides = array<i32>} : memref<10112xi32, #tpu.memory_space<vmem>>, vector<16xi32>,
      %swap3A_212 = vector.shape_cast %swap3A_211 : vector<16xi32> to vector<16xi32>
      %swap3A_213 = vector.shape_cast %add3A_209 : vector<16xi32> to vector<16xi32>
      tpu.vector_store %arg10[%swap3A_210], %swap3A_213 {strides = array<i32>} : memref<10112xi32, #tpu.memory_space<vmem>>, vector<16xi32>,
      %mul3A_214 = arith.constant 128 : i32
      %mul3A_215 = arith.muli %scan3A_33, %mul3A_214 : i32
      %add3A_216 = arith.constant 112 : i32
      %add3A_217 = arith.addi %mul3A_215, %add3A_216 : i32
      %get3A_218 = arith.index_cast %add3A_217 : i32 to index
      %get3A_219 = tpu.vector_load %arg7[%get3A_218] {strides = array<i32>} : memref<10112xi32, #tpu.memory_space<vmem>>, vector<16xi32>,
      %get3A_220 = vector.shape_cast %get3A_219 : vector<16xi32> to vector<16xi32>
      %get3A_221 = arith.index_cast %add3A_217 : i32 to index
      %get3A_222 = tpu.vector_load %arg8[%get3A_221] {strides = array<i32>} : memref<10112xi32, #tpu.memory_space<vmem>>, vector<16xi32>,
      %get3A_223 = vector.shape_cast %get3A_222 : vector<16xi32> to vector<16xi32>
      %mul3A_224 = arith.constant 10000 : i32
      %mul3A_225 = vector.broadcast %mul3A_224 : i32 to vector<16xi32>
      %mul3A_226 = arith.muli %get3A_220, %mul3A_225 : vector<16xi32>
      %add3A_227 = arith.addi %mul3A_226, %get3A_223 : vector<16xi32>
      %swap3A_228 = arith.index_cast %add3A_217 : i32 to index
      %swap3A_229 = tpu.vector_load %arg9[%swap3A_228] {strides = array<i32>} : memref<10112xi32, #tpu.memory_space<vmem>>, vector<16xi32>,
      %swap3A_230 = vector.shape_cast %swap3A_229 : vector<16xi32> to vector<16xi32>
      %swap3A_231 = vector.shape_cast %add3A_227 : vector<16xi32> to vector<16xi32>
      tpu.vector_store %arg9[%swap3A_228], %swap3A_231 {strides = array<i32>} : memref<10112xi32, #tpu.memory_space<vmem>>, vector<16xi32>,
      %mul3A_232 = arith.constant 10000 : i32
      %mul3A_233 = vector.broadcast %mul3A_232 : i32 to vector<16xi32>
      %mul3A_234 = arith.muli %get3A_223, %mul3A_233 : vector<16xi32>
      %add3A_235 = arith.addi %mul3A_234, %get3A_220 : vector<16xi32>
      %swap3A_236 = arith.index_cast %add3A_217 : i32 to index
      %swap3A_237 = tpu.vector_load %arg10[%swap3A_236] {strides = array<i32>} : memref<10112xi32, #tpu.memory_space<vmem>>, vector<16xi32>,
      %swap3A_238 = vector.shape_cast %swap3A_237 : vector<16xi32> to vector<16xi32>
      %swap3A_239 = vector.shape_cast %add3A_235 : vector<16xi32> to vector<16xi32>
      tpu.vector_store %arg10[%swap3A_236], %swap3A_239 {strides = array<i32>} : memref<10112xi32, #tpu.memory_space<vmem>>, vector<16xi32>,
    }
    %scan3A_26 = arith.constant 79 : i32
    %dma_start3A = arith.constant 0 : i32
    %dma_start3A_27 = tpu.memref_slice %arg2[%dma_start3A] : memref<100000000xf32, #tpu.memory_space<hbm>> -> memref<100000000xf32, #tpu.memory_space<hbm>>
    tpu.enqueue_indirect_dma source(%arg11 : memref<10112xf32, #tpu.memory_space<vmem>>) target(%dma_start3A_27 : memref<100000000xf32, #tpu.memory_space<hbm>>) offsets(%arg9 : memref<10112xi32, #tpu.memory_space<vmem>>) semaphore(%arg12 : memref<!tpu.dma_semaphore, #tpu.memory_space<semaphore_mem>>)
    %dma_start3A_28 = arith.constant 0 : i32
    %dma_start3A_29 = tpu.memref_slice %arg2[%dma_start3A_28] : memref<100000000xf32, #tpu.memory_space<hbm>> -> memref<100000000xf32, #tpu.memory_space<hbm>>
    tpu.enqueue_indirect_dma source(%arg11 : memref<10112xf32, #tpu.memory_space<vmem>>) target(%dma_start3A_29 : memref<100000000xf32, #tpu.memory_space<hbm>>) offsets(%arg10 : memref<10112xi32, #tpu.memory_space<vmem>>) semaphore(%arg12 : memref<!tpu.dma_semaphore, #tpu.memory_space<semaphore_mem>>)
    %dma_wait3A = arith.constant 0 : i32
    %dma_wait3A_30 = tpu.memref_slice %arg2[%dma_wait3A] : memref<100000000xf32, #tpu.memory_space<hbm>> -> memref<100000000xf32, #tpu.memory_space<hbm>>
    tpu.wait_indirect_dma semaphore(%arg12 : memref<!tpu.dma_semaphore, #tpu.memory_space<semaphore_mem>>) src(%arg11 : memref<10112xf32, #tpu.memory_space<vmem>>) dst(%dma_wait3A_30 : memref<100000000xf32, #tpu.memory_space<hbm>>)
    %dma_wait3A_31 = arith.constant 0 : i32
    %dma_wait3A_32 = tpu.memref_slice %arg2[%dma_wait3A_31] : memref<100000000xf32, #tpu.memory_space<hbm>> -> memref<100000000xf32, #tpu.memory_space<hbm>>
    tpu.wait_indirect_dma semaphore(%arg12 : memref<!tpu.dma_semaphore, #tpu.memory_space<semaphore_mem>>) src(%arg11 : memref<10112xf32, #tpu.memory_space<vmem>>) dst(%dma_wait3A_32 : memref<100000000xf32, #tpu.memory_space<hbm>>)
    return
  }
}

#map = affine_map<(d0, d1) -> (0)>
module attributes {stable_mosaic.version = 14 : i64} {
  func.func @new_body(%arg0: i32, %arg1: i32, %arg2: memref<100000000xf32, #tpu.memory_space<hbm>>, %arg3: memref<320000xi32, #tpu.memory_space<hbm>>, %arg4: memref<320000xi32, #tpu.memory_space<hbm>>, %arg5: memref<10112xf32, #tpu.memory_space<hbm>>, %arg6: memref<100000000xf32, #tpu.memory_space<hbm>>, %arg7: memref<10112xi32, #tpu.memory_space<vmem>>, %arg8: memref<10112xi32, #tpu.memory_space<vmem>>, %arg9: memref<10112xi32, #tpu.memory_space<vmem>>, %arg10: memref<10112xi32, #tpu.memory_space<vmem>>, %arg11: memref<10112xf32, #tpu.memory_space<vmem>>, %arg12: memref<!tpu.dma_semaphore, #tpu.memory_space<semaphore_mem>>) attributes {dimension_semantics = [#tpu.dimension_semantics<core_parallel>, #tpu.dimension_semantics<subcore_parallel>], iteration_bounds = array<i64: 2, 16>, scalar_prefetch = 0 : i64, scratch_operands = 6 : i64, tpu.core_type = #tpu.core_type<sc_vector_subcore>, window_params = [{transform_indices = #map}, {transform_indices = #map}, {transform_indices = #map}, {transform_indices = #map}, {transform_indices = #map}]} {
    %mul3A = arith.constant 2 : i32
    %mul3A_0 = arith.muli %arg1, %mul3A : i32
    %add3A = arith.addi %mul3A_0, %arg0 : i32
    %mul3A_1 = arith.constant 2500 : i32
    %mul3A_2 = arith.muli %add3A, %mul3A_1 : i32
    %jit3A = arith.constant 32 : i32
    %div3A = arith.divsi %mul3A_2, %jit3A : i32
    %sign3A = arith.constant 0 : i32
    %sign3A_3 = arith.cmpi sgt, %mul3A_2, %sign3A : i32
    %sign3A_4 = arith.extui %sign3A_3 : i1 to i32
    %sign3A_5 = arith.constant 0 : i32
    %sign3A_6 = arith.cmpi slt, %mul3A_2, %sign3A_5 : i32
    %sign3A_7 = arith.extui %sign3A_6 : i1 to i32
    %sign3A_8 = arith.subi %sign3A_4, %sign3A_7 : i32
    %sign3A_9 = arith.constant 0 : i32
    %sign3A_10 = arith.cmpi sgt, %jit3A, %sign3A_9 : i32
    %sign3A_11 = arith.extui %sign3A_10 : i1 to i32
    %sign3A_12 = arith.constant 0 : i32
    %sign3A_13 = arith.cmpi slt, %jit3A, %sign3A_12 : i32
    %sign3A_14 = arith.extui %sign3A_13 : i1 to i32
    %sign3A_15 = arith.subi %sign3A_11, %sign3A_14 : i32
    %ne3A = arith.cmpi ne, %sign3A_8, %sign3A_15 : i32
    %rem3A = arith.remsi %mul3A_2, %jit3A : i32
    %ne3A_16 = arith.constant 0 : i32
    %ne3A_17 = arith.cmpi ne, %rem3A, %ne3A_16 : i32
    %and3A = arith.andi %ne3A, %ne3A_17 : i1
    %sub3A = arith.constant 1 : i32
    %sub3A_18 = arith.subi %div3A, %sub3A : i32
    %select_n3A = arith.select %and3A, %sub3A_18, %div3A : i32
    %min3A = arith.constant 2421 : i32
    %min3A_19 = arith.minsi %select_n3A, %min3A : i32
    %mul3A_20 = arith.constant 128 : i32
    %mul3A_21 = arith.muli %min3A_19, %mul3A_20 : i32
    "tpu.region"() ({
      %run_scoped3A = tpu.sem_alloc : memref<!tpu.dma_semaphore, #tpu.memory_space<semaphore_mem>>
      %dma_start3A_33 = tpu.memref_slice %arg3[%mul3A_21] : memref<320000xi32, #tpu.memory_space<hbm>> -> memref<10112xi32, #tpu.memory_space<hbm>>
      %dma_start3A_34 = tpu.memref_slice %arg3[%mul3A_21] : memref<320000xi32, #tpu.memory_space<hbm>> -> memref<10112xi32, #tpu.memory_space<hbm>>
      tpu.enqueue_dma source(%dma_start3A_34 : memref<10112xi32, #tpu.memory_space<hbm>>) target(%arg7 : memref<10112xi32, #tpu.memory_space<vmem>>) target_semaphore(%run_scoped3A : memref<!tpu.dma_semaphore, #tpu.memory_space<semaphore_mem>>)
      %dma_wait3A_35 = tpu.memref_slice %arg3[%mul3A_21] : memref<320000xi32, #tpu.memory_space<hbm>> -> memref<10112xi32, #tpu.memory_space<hbm>>
      %dma_wait3A_36 = tpu.memref_slice %arg3[%mul3A_21] : memref<320000xi32, #tpu.memory_space<hbm>> -> memref<10112xi32, #tpu.memory_space<hbm>>
      tpu.wait_dma2 semaphore(%run_scoped3A : memref<!tpu.dma_semaphore, #tpu.memory_space<semaphore_mem>>) src(%dma_wait3A_36 : memref<10112xi32, #tpu.memory_space<hbm>>) dst(%arg7 : memref<10112xi32, #tpu.memory_space<vmem>>)
      tpu.yield
    }) : () -> ()
    "tpu.region"() ({
      %run_scoped3A = tpu.sem_alloc : memref<!tpu.dma_semaphore, #tpu.memory_space<semaphore_mem>>
      %dma_start3A_33 = tpu.memref_slice %arg4[%mul3A_21] : memref<320000xi32, #tpu.memory_space<hbm>> -> memref<10112xi32, #tpu.memory_space<hbm>>
      %dma_start3A_34 = tpu.memref_slice %arg4[%mul3A_21] : memref<320000xi32, #tpu.memory_space<hbm>> -> memref<10112xi32, #tpu.memory_space<hbm>>
      tpu.enqueue_dma source(%dma_start3A_34 : memref<10112xi32, #tpu.memory_space<hbm>>) target(%arg8 : memref<10112xi32, #tpu.memory_space<vmem>>) target_semaphore(%run_scoped3A : memref<!tpu.dma_semaphore, #tpu.memory_space<semaphore_mem>>)
      %dma_wait3A_35 = tpu.memref_slice %arg4[%mul3A_21] : memref<320000xi32, #tpu.memory_space<hbm>> -> memref<10112xi32, #tpu.memory_space<hbm>>
      %dma_wait3A_36 = tpu.memref_slice %arg4[%mul3A_21] : memref<320000xi32, #tpu.memory_space<hbm>> -> memref<10112xi32, #tpu.memory_space<hbm>>
      tpu.wait_dma2 semaphore(%run_scoped3A : memref<!tpu.dma_semaphore, #tpu.memory_space<semaphore_mem>>) src(%dma_wait3A_36 : memref<10112xi32, #tpu.memory_space<hbm>>) dst(%arg8 : memref<10112xi32, #tpu.memory_space<vmem>>)
      tpu.yield
    }) : () -> ()
    "tpu.region"() ({
      %run_scoped3A = tpu.sem_alloc : memref<!tpu.dma_semaphore, #tpu.memory_space<semaphore_mem>>
      tpu.enqueue_dma source(%arg5 : memref<10112xf32, #tpu.memory_space<hbm>>) target(%arg11 : memref<10112xf32, #tpu.memory_space<vmem>>) target_semaphore(%run_scoped3A : memref<!tpu.dma_semaphore, #tpu.memory_space<semaphore_mem>>)
      tpu.wait_dma2 semaphore(%run_scoped3A : memref<!tpu.dma_semaphore, #tpu.memory_space<semaphore_mem>>) src(%arg5 : memref<10112xf32, #tpu.memory_space<hbm>>) dst(%arg11 : memref<10112xf32, #tpu.memory_space<vmem>>)
      tpu.yield
    }) : () -> ()
    %scan3A = arith.constant 0 : i32
    %scan3A_22 = arith.constant 0 : i32
    %scan3A_23 = arith.constant 79 : i32
    %scan3A_24 = arith.addi %scan3A_22, %scan3A_23 : i32
    %scan3A_25 = arith.constant 1 : i32
    scf.for %scan3A_33 = %scan3A_22 to %scan3A_24 step %scan3A_25  : i32 {
      %mul3A_34 = arith.constant 128 : i32
      %mul3A_35 = arith.muli %scan3A_33, %mul3A_34 : i32
      %add3A_36 = arith.constant 0 : i32
      %add3A_37 = arith.addi %mul3A_35, %add3A_36 : i32
      %get3A = arith.index_cast %add3A_37 : i32 to index
      %get3A_38 = tpu.vector_load %arg7[%get3A] {strides = array<i32>} : memref<10112xi32, #tpu.memory_space<vmem>>, vector<16xi32>,
      %get3A_39 = vector.shape_cast %get3A_38 : vector<16xi32> to vector<16xi32>
      %get3A_40 = arith.index_cast %add3A_37 : i32 to index
      %get3A_41 = tpu.vector_load %arg8[%get3A_40] {strides = array<i32>} : memref<10112xi32, #tpu.memory_space<vmem>>, vector<16xi32>,
      %get3A_42 = vector.shape_cast %get3A_41 : vector<16xi32> to vector<16xi32>
      %mul3A_43 = arith.constant 10000 : i32
      %mul3A_44 = vector.broadcast %mul3A_43 : i32 to vector<16xi32>
      %mul3A_45 = arith.muli %get3A_39, %mul3A_44 : vector<16xi32>
      %add3A_46 = arith.addi %mul3A_45, %get3A_42 : vector<16xi32>
      %swap3A = arith.index_cast %add3A_37 : i32 to index
      %swap3A_47 = tpu.vector_load %arg9[%swap3A] {strides = array<i32>} : memref<10112xi32, #tpu.memory_space<vmem>>, vector<16xi32>,
      %swap3A_48 = vector.shape_cast %swap3A_47 : vector<16xi32> to vector<16xi32>
      %swap3A_49 = vector.shape_cast %add3A_46 : vector<16xi32> to vector<16xi32>
      tpu.vector_store %arg9[%swap3A], %swap3A_49 {strides = array<i32>} : memref<10112xi32, #tpu.memory_space<vmem>>, vector<16xi32>,
      %mul3A_50 = arith.constant 10000 : i32
      %mul3A_51 = vector.broadcast %mul3A_50 : i32 to vector<16xi32>
      %mul3A_52 = arith.muli %get3A_42, %mul3A_51 : vector<16xi32>
      %add3A_53 = arith.addi %mul3A_52, %get3A_39 : vector<16xi32>
      %swap3A_54 = arith.index_cast %add3A_37 : i32 to index
      %swap3A_55 = tpu.vector_load %arg10[%swap3A_54] {strides = array<i32>} : memref<10112xi32, #tpu.memory_space<vmem>>, vector<16xi32>,
      %swap3A_56 = vector.shape_cast %swap3A_55 : vector<16xi32> to vector<16xi32>
      %swap3A_57 = vector.shape_cast %add3A_53 : vector<16xi32> to vector<16xi32>
      tpu.vector_store %arg10[%swap3A_54], %swap3A_57 {strides = array<i32>} : memref<10112xi32, #tpu.memory_space<vmem>>, vector<16xi32>,
      %mul3A_58 = arith.constant 128 : i32
      %mul3A_59 = arith.muli %scan3A_33, %mul3A_58 : i32
      %add3A_60 = arith.constant 16 : i32
      %add3A_61 = arith.addi %mul3A_59, %add3A_60 : i32
      %get3A_62 = arith.index_cast %add3A_61 : i32 to index
      %get3A_63 = tpu.vector_load %arg7[%get3A_62] {strides = array<i32>} : memref<10112xi32, #tpu.memory_space<vmem>>, vector<16xi32>,
      %get3A_64 = vector.shape_cast %get3A_63 : vector<16xi32> to vector<16xi32>
      %get3A_65 = arith.index_cast %add3A_61 : i32 to index
      %get3A_66 = tpu.vector_load %arg8[%get3A_65] {strides = array<i32>} : memref<10112xi32, #tpu.memory_space<vmem>>, vector<16xi32>,
      %get3A_67 = vector.shape_cast %get3A_66 : vector<16xi32> to vector<16xi32>
      %mul3A_68 = arith.constant 10000 : i32
      %mul3A_69 = vector.broadcast %mul3A_68 : i32 to vector<16xi32>
      %mul3A_70 = arith.muli %get3A_64, %mul3A_69 : vector<16xi32>
      %add3A_71 = arith.addi %mul3A_70, %get3A_67 : vector<16xi32>
      %swap3A_72 = arith.index_cast %add3A_61 : i32 to index
      %swap3A_73 = tpu.vector_load %arg9[%swap3A_72] {strides = array<i32>} : memref<10112xi32, #tpu.memory_space<vmem>>, vector<16xi32>,
      %swap3A_74 = vector.shape_cast %swap3A_73 : vector<16xi32> to vector<16xi32>
      %swap3A_75 = vector.shape_cast %add3A_71 : vector<16xi32> to vector<16xi32>
      tpu.vector_store %arg9[%swap3A_72], %swap3A_75 {strides = array<i32>} : memref<10112xi32, #tpu.memory_space<vmem>>, vector<16xi32>,
      %mul3A_76 = arith.constant 10000 : i32
      %mul3A_77 = vector.broadcast %mul3A_76 : i32 to vector<16xi32>
      %mul3A_78 = arith.muli %get3A_67, %mul3A_77 : vector<16xi32>
      %add3A_79 = arith.addi %mul3A_78, %get3A_64 : vector<16xi32>
      %swap3A_80 = arith.index_cast %add3A_61 : i32 to index
      %swap3A_81 = tpu.vector_load %arg10[%swap3A_80] {strides = array<i32>} : memref<10112xi32, #tpu.memory_space<vmem>>, vector<16xi32>,
      %swap3A_82 = vector.shape_cast %swap3A_81 : vector<16xi32> to vector<16xi32>
      %swap3A_83 = vector.shape_cast %add3A_79 : vector<16xi32> to vector<16xi32>
      tpu.vector_store %arg10[%swap3A_80], %swap3A_83 {strides = array<i32>} : memref<10112xi32, #tpu.memory_space<vmem>>, vector<16xi32>,
      %mul3A_84 = arith.constant 128 : i32
      %mul3A_85 = arith.muli %scan3A_33, %mul3A_84 : i32
      %add3A_86 = arith.constant 32 : i32
      %add3A_87 = arith.addi %mul3A_85, %add3A_86 : i32
      %get3A_88 = arith.index_cast %add3A_87 : i32 to index
      %get3A_89 = tpu.vector_load %arg7[%get3A_88] {strides = array<i32>} : memref<10112xi32, #tpu.memory_space<vmem>>, vector<16xi32>,
      %get3A_90 = vector.shape_cast %get3A_89 : vector<16xi32> to vector<16xi32>
      %get3A_91 = arith.index_cast %add3A_87 : i32 to index
      %get3A_92 = tpu.vector_load %arg8[%get3A_91] {strides = array<i32>} : memref<10112xi32, #tpu.memory_space<vmem>>, vector<16xi32>,
      %get3A_93 = vector.shape_cast %get3A_92 : vector<16xi32> to vector<16xi32>
      %mul3A_94 = arith.constant 10000 : i32
      %mul3A_95 = vector.broadcast %mul3A_94 : i32 to vector<16xi32>
      %mul3A_96 = arith.muli %get3A_90, %mul3A_95 : vector<16xi32>
      %add3A_97 = arith.addi %mul3A_96, %get3A_93 : vector<16xi32>
      %swap3A_98 = arith.index_cast %add3A_87 : i32 to index
      %swap3A_99 = tpu.vector_load %arg9[%swap3A_98] {strides = array<i32>} : memref<10112xi32, #tpu.memory_space<vmem>>, vector<16xi32>,
      %swap3A_100 = vector.shape_cast %swap3A_99 : vector<16xi32> to vector<16xi32>
      %swap3A_101 = vector.shape_cast %add3A_97 : vector<16xi32> to vector<16xi32>
      tpu.vector_store %arg9[%swap3A_98], %swap3A_101 {strides = array<i32>} : memref<10112xi32, #tpu.memory_space<vmem>>, vector<16xi32>,
      %mul3A_102 = arith.constant 10000 : i32
      %mul3A_103 = vector.broadcast %mul3A_102 : i32 to vector<16xi32>
      %mul3A_104 = arith.muli %get3A_93, %mul3A_103 : vector<16xi32>
      %add3A_105 = arith.addi %mul3A_104, %get3A_90 : vector<16xi32>
      %swap3A_106 = arith.index_cast %add3A_87 : i32 to index
      %swap3A_107 = tpu.vector_load %arg10[%swap3A_106] {strides = array<i32>} : memref<10112xi32, #tpu.memory_space<vmem>>, vector<16xi32>,
      %swap3A_108 = vector.shape_cast %swap3A_107 : vector<16xi32> to vector<16xi32>
      %swap3A_109 = vector.shape_cast %add3A_105 : vector<16xi32> to vector<16xi32>
      tpu.vector_store %arg10[%swap3A_106], %swap3A_109 {strides = array<i32>} : memref<10112xi32, #tpu.memory_space<vmem>>, vector<16xi32>,
      %mul3A_110 = arith.constant 128 : i32
      %mul3A_111 = arith.muli %scan3A_33, %mul3A_110 : i32
      %add3A_112 = arith.constant 48 : i32
      %add3A_113 = arith.addi %mul3A_111, %add3A_112 : i32
      %get3A_114 = arith.index_cast %add3A_113 : i32 to index
      %get3A_115 = tpu.vector_load %arg7[%get3A_114] {strides = array<i32>} : memref<10112xi32, #tpu.memory_space<vmem>>, vector<16xi32>,
      %get3A_116 = vector.shape_cast %get3A_115 : vector<16xi32> to vector<16xi32>
      %get3A_117 = arith.index_cast %add3A_113 : i32 to index
      %get3A_118 = tpu.vector_load %arg8[%get3A_117] {strides = array<i32>} : memref<10112xi32, #tpu.memory_space<vmem>>, vector<16xi32>,
      %get3A_119 = vector.shape_cast %get3A_118 : vector<16xi32> to vector<16xi32>
      %mul3A_120 = arith.constant 10000 : i32
      %mul3A_121 = vector.broadcast %mul3A_120 : i32 to vector<16xi32>
      %mul3A_122 = arith.muli %get3A_116, %mul3A_121 : vector<16xi32>
      %add3A_123 = arith.addi %mul3A_122, %get3A_119 : vector<16xi32>
      %swap3A_124 = arith.index_cast %add3A_113 : i32 to index
      %swap3A_125 = tpu.vector_load %arg9[%swap3A_124] {strides = array<i32>} : memref<10112xi32, #tpu.memory_space<vmem>>, vector<16xi32>,
      %swap3A_126 = vector.shape_cast %swap3A_125 : vector<16xi32> to vector<16xi32>
      %swap3A_127 = vector.shape_cast %add3A_123 : vector<16xi32> to vector<16xi32>
      tpu.vector_store %arg9[%swap3A_124], %swap3A_127 {strides = array<i32>} : memref<10112xi32, #tpu.memory_space<vmem>>, vector<16xi32>,
      %mul3A_128 = arith.constant 10000 : i32
      %mul3A_129 = vector.broadcast %mul3A_128 : i32 to vector<16xi32>
      %mul3A_130 = arith.muli %get3A_119, %mul3A_129 : vector<16xi32>
      %add3A_131 = arith.addi %mul3A_130, %get3A_116 : vector<16xi32>
      %swap3A_132 = arith.index_cast %add3A_113 : i32 to index
      %swap3A_133 = tpu.vector_load %arg10[%swap3A_132] {strides = array<i32>} : memref<10112xi32, #tpu.memory_space<vmem>>, vector<16xi32>,
      %swap3A_134 = vector.shape_cast %swap3A_133 : vector<16xi32> to vector<16xi32>
      %swap3A_135 = vector.shape_cast %add3A_131 : vector<16xi32> to vector<16xi32>
      tpu.vector_store %arg10[%swap3A_132], %swap3A_135 {strides = array<i32>} : memref<10112xi32, #tpu.memory_space<vmem>>, vector<16xi32>,
      %mul3A_136 = arith.constant 128 : i32
      %mul3A_137 = arith.muli %scan3A_33, %mul3A_136 : i32
      %add3A_138 = arith.constant 64 : i32
      %add3A_139 = arith.addi %mul3A_137, %add3A_138 : i32
      %get3A_140 = arith.index_cast %add3A_139 : i32 to index
      %get3A_141 = tpu.vector_load %arg7[%get3A_140] {strides = array<i32>} : memref<10112xi32, #tpu.memory_space<vmem>>, vector<16xi32>,
      %get3A_142 = vector.shape_cast %get3A_141 : vector<16xi32> to vector<16xi32>
      %get3A_143 = arith.index_cast %add3A_139 : i32 to index
      %get3A_144 = tpu.vector_load %arg8[%get3A_143] {strides = array<i32>} : memref<10112xi32, #tpu.memory_space<vmem>>, vector<16xi32>,
      %get3A_145 = vector.shape_cast %get3A_144 : vector<16xi32> to vector<16xi32>
      %mul3A_146 = arith.constant 10000 : i32
      %mul3A_147 = vector.broadcast %mul3A_146 : i32 to vector<16xi32>
      %mul3A_148 = arith.muli %get3A_142, %mul3A_147 : vector<16xi32>
      %add3A_149 = arith.addi %mul3A_148, %get3A_145 : vector<16xi32>
      %swap3A_150 = arith.index_cast %add3A_139 : i32 to index
      %swap3A_151 = tpu.vector_load %arg9[%swap3A_150] {strides = array<i32>} : memref<10112xi32, #tpu.memory_space<vmem>>, vector<16xi32>,
      %swap3A_152 = vector.shape_cast %swap3A_151 : vector<16xi32> to vector<16xi32>
      %swap3A_153 = vector.shape_cast %add3A_149 : vector<16xi32> to vector<16xi32>
      tpu.vector_store %arg9[%swap3A_150], %swap3A_153 {strides = array<i32>} : memref<10112xi32, #tpu.memory_space<vmem>>, vector<16xi32>,
      %mul3A_154 = arith.constant 10000 : i32
      %mul3A_155 = vector.broadcast %mul3A_154 : i32 to vector<16xi32>
      %mul3A_156 = arith.muli %get3A_145, %mul3A_155 : vector<16xi32>
      %add3A_157 = arith.addi %mul3A_156, %get3A_142 : vector<16xi32>
      %swap3A_158 = arith.index_cast %add3A_139 : i32 to index
      %swap3A_159 = tpu.vector_load %arg10[%swap3A_158] {strides = array<i32>} : memref<10112xi32, #tpu.memory_space<vmem>>, vector<16xi32>,
      %swap3A_160 = vector.shape_cast %swap3A_159 : vector<16xi32> to vector<16xi32>
      %swap3A_161 = vector.shape_cast %add3A_157 : vector<16xi32> to vector<16xi32>
      tpu.vector_store %arg10[%swap3A_158], %swap3A_161 {strides = array<i32>} : memref<10112xi32, #tpu.memory_space<vmem>>, vector<16xi32>,
      %mul3A_162 = arith.constant 128 : i32
      %mul3A_163 = arith.muli %scan3A_33, %mul3A_162 : i32
      %add3A_164 = arith.constant 80 : i32
      %add3A_165 = arith.addi %mul3A_163, %add3A_164 : i32
      %get3A_166 = arith.index_cast %add3A_165 : i32 to index
      %get3A_167 = tpu.vector_load %arg7[%get3A_166] {strides = array<i32>} : memref<10112xi32, #tpu.memory_space<vmem>>, vector<16xi32>,
      %get3A_168 = vector.shape_cast %get3A_167 : vector<16xi32> to vector<16xi32>
      %get3A_169 = arith.index_cast %add3A_165 : i32 to index
      %get3A_170 = tpu.vector_load %arg8[%get3A_169] {strides = array<i32>} : memref<10112xi32, #tpu.memory_space<vmem>>, vector<16xi32>,
      %get3A_171 = vector.shape_cast %get3A_170 : vector<16xi32> to vector<16xi32>
      %mul3A_172 = arith.constant 10000 : i32
      %mul3A_173 = vector.broadcast %mul3A_172 : i32 to vector<16xi32>
      %mul3A_174 = arith.muli %get3A_168, %mul3A_173 : vector<16xi32>
      %add3A_175 = arith.addi %mul3A_174, %get3A_171 : vector<16xi32>
      %swap3A_176 = arith.index_cast %add3A_165 : i32 to index
      %swap3A_177 = tpu.vector_load %arg9[%swap3A_176] {strides = array<i32>} : memref<10112xi32, #tpu.memory_space<vmem>>, vector<16xi32>,
      %swap3A_178 = vector.shape_cast %swap3A_177 : vector<16xi32> to vector<16xi32>
      %swap3A_179 = vector.shape_cast %add3A_175 : vector<16xi32> to vector<16xi32>
      tpu.vector_store %arg9[%swap3A_176], %swap3A_179 {strides = array<i32>} : memref<10112xi32, #tpu.memory_space<vmem>>, vector<16xi32>,
      %mul3A_180 = arith.constant 10000 : i32
      %mul3A_181 = vector.broadcast %mul3A_180 : i32 to vector<16xi32>
      %mul3A_182 = arith.muli %get3A_171, %mul3A_181 : vector<16xi32>
      %add3A_183 = arith.addi %mul3A_182, %get3A_168 : vector<16xi32>
      %swap3A_184 = arith.index_cast %add3A_165 : i32 to index
      %swap3A_185 = tpu.vector_load %arg10[%swap3A_184] {strides = array<i32>} : memref<10112xi32, #tpu.memory_space<vmem>>, vector<16xi32>,
      %swap3A_186 = vector.shape_cast %swap3A_185 : vector<16xi32> to vector<16xi32>
      %swap3A_187 = vector.shape_cast %add3A_183 : vector<16xi32> to vector<16xi32>
      tpu.vector_store %arg10[%swap3A_184], %swap3A_187 {strides = array<i32>} : memref<10112xi32, #tpu.memory_space<vmem>>, vector<16xi32>,
      %mul3A_188 = arith.constant 128 : i32
      %mul3A_189 = arith.muli %scan3A_33, %mul3A_188 : i32
      %add3A_190 = arith.constant 96 : i32
      %add3A_191 = arith.addi %mul3A_189, %add3A_190 : i32
      %get3A_192 = arith.index_cast %add3A_191 : i32 to index
      %get3A_193 = tpu.vector_load %arg7[%get3A_192] {strides = array<i32>} : memref<10112xi32, #tpu.memory_space<vmem>>, vector<16xi32>,
      %get3A_194 = vector.shape_cast %get3A_193 : vector<16xi32> to vector<16xi32>
      %get3A_195 = arith.index_cast %add3A_191 : i32 to index
      %get3A_196 = tpu.vector_load %arg8[%get3A_195] {strides = array<i32>} : memref<10112xi32, #tpu.memory_space<vmem>>, vector<16xi32>,
      %get3A_197 = vector.shape_cast %get3A_196 : vector<16xi32> to vector<16xi32>
      %mul3A_198 = arith.constant 10000 : i32
      %mul3A_199 = vector.broadcast %mul3A_198 : i32 to vector<16xi32>
      %mul3A_200 = arith.muli %get3A_194, %mul3A_199 : vector<16xi32>
      %add3A_201 = arith.addi %mul3A_200, %get3A_197 : vector<16xi32>
      %swap3A_202 = arith.index_cast %add3A_191 : i32 to index
      %swap3A_203 = tpu.vector_load %arg9[%swap3A_202] {strides = array<i32>} : memref<10112xi32, #tpu.memory_space<vmem>>, vector<16xi32>,
      %swap3A_204 = vector.shape_cast %swap3A_203 : vector<16xi32> to vector<16xi32>
      %swap3A_205 = vector.shape_cast %add3A_201 : vector<16xi32> to vector<16xi32>
      tpu.vector_store %arg9[%swap3A_202], %swap3A_205 {strides = array<i32>} : memref<10112xi32, #tpu.memory_space<vmem>>, vector<16xi32>,
      %mul3A_206 = arith.constant 10000 : i32
      %mul3A_207 = vector.broadcast %mul3A_206 : i32 to vector<16xi32>
      %mul3A_208 = arith.muli %get3A_197, %mul3A_207 : vector<16xi32>
      %add3A_209 = arith.addi %mul3A_208, %get3A_194 : vector<16xi32>
      %swap3A_210 = arith.index_cast %add3A_191 : i32 to index
      %swap3A_211 = tpu.vector_load %arg10[%swap3A_210] {strides = array<i32>} : memref<10112xi32, #tpu.memory_space<vmem>>, vector<16xi32>,
      %swap3A_212 = vector.shape_cast %swap3A_211 : vector<16xi32> to vector<16xi32>
      %swap3A_213 = vector.shape_cast %add3A_209 : vector<16xi32> to vector<16xi32>
      tpu.vector_store %arg10[%swap3A_210], %swap3A_213 {strides = array<i32>} : memref<10112xi32, #tpu.memory_space<vmem>>, vector<16xi32>,
      %mul3A_214 = arith.constant 128 : i32
      %mul3A_215 = arith.muli %scan3A_33, %mul3A_214 : i32
      %add3A_216 = arith.constant 112 : i32
      %add3A_217 = arith.addi %mul3A_215, %add3A_216 : i32
      %get3A_218 = arith.index_cast %add3A_217 : i32 to index
      %get3A_219 = tpu.vector_load %arg7[%get3A_218] {strides = array<i32>} : memref<10112xi32, #tpu.memory_space<vmem>>, vector<16xi32>,
      %get3A_220 = vector.shape_cast %get3A_219 : vector<16xi32> to vector<16xi32>
      %get3A_221 = arith.index_cast %add3A_217 : i32 to index
      %get3A_222 = tpu.vector_load %arg8[%get3A_221] {strides = array<i32>} : memref<10112xi32, #tpu.memory_space<vmem>>, vector<16xi32>,
      %get3A_223 = vector.shape_cast %get3A_222 : vector<16xi32> to vector<16xi32>
      %mul3A_224 = arith.constant 10000 : i32
      %mul3A_225 = vector.broadcast %mul3A_224 : i32 to vector<16xi32>
      %mul3A_226 = arith.muli %get3A_220, %mul3A_225 : vector<16xi32>
      %add3A_227 = arith.addi %mul3A_226, %get3A_223 : vector<16xi32>
      %swap3A_228 = arith.index_cast %add3A_217 : i32 to index
      %swap3A_229 = tpu.vector_load %arg9[%swap3A_228] {strides = array<i32>} : memref<10112xi32, #tpu.memory_space<vmem>>, vector<16xi32>,
      %swap3A_230 = vector.shape_cast %swap3A_229 : vector<16xi32> to vector<16xi32>
      %swap3A_231 = vector.shape_cast %add3A_227 : vector<16xi32> to vector<16xi32>
      tpu.vector_store %arg9[%swap3A_228], %swap3A_231 {strides = array<i32>} : memref<10112xi32, #tpu.memory_space<vmem>>, vector<16xi32>,
      %mul3A_232 = arith.constant 10000 : i32
      %mul3A_233 = vector.broadcast %mul3A_232 : i32 to vector<16xi32>
      %mul3A_234 = arith.muli %get3A_223, %mul3A_233 : vector<16xi32>
      %add3A_235 = arith.addi %mul3A_234, %get3A_220 : vector<16xi32>
      %swap3A_236 = arith.index_cast %add3A_217 : i32 to index
      %swap3A_237 = tpu.vector_load %arg10[%swap3A_236] {strides = array<i32>} : memref<10112xi32, #tpu.memory_space<vmem>>, vector<16xi32>,
      %swap3A_238 = vector.shape_cast %swap3A_237 : vector<16xi32> to vector<16xi32>
      %swap3A_239 = vector.shape_cast %add3A_235 : vector<16xi32> to vector<16xi32>
      tpu.vector_store %arg10[%swap3A_236], %swap3A_239 {strides = array<i32>} : memref<10112xi32, #tpu.memory_space<vmem>>, vector<16xi32>,
    }
    %scan3A_26 = arith.constant 79 : i32
    %dma_start3A = arith.constant 0 : i32
    %dma_start3A_27 = tpu.memref_slice %arg2[%dma_start3A] : memref<100000000xf32, #tpu.memory_space<hbm>> -> memref<100000000xf32, #tpu.memory_space<hbm>>
    tpu.enqueue_indirect_dma source(%arg11 : memref<10112xf32, #tpu.memory_space<vmem>>) target(%dma_start3A_27 : memref<100000000xf32, #tpu.memory_space<hbm>>) offsets(%arg9 : memref<10112xi32, #tpu.memory_space<vmem>>) semaphore(%arg12 : memref<!tpu.dma_semaphore, #tpu.memory_space<semaphore_mem>>)
    %dma_start3A_28 = arith.constant 0 : i32
    %dma_start3A_29 = tpu.memref_slice %arg2[%dma_start3A_28] : memref<100000000xf32, #tpu.memory_space<hbm>> -> memref<100000000xf32, #tpu.memory_space<hbm>>
    tpu.enqueue_indirect_dma source(%arg11 : memref<10112xf32, #tpu.memory_space<vmem>>) target(%dma_start3A_29 : memref<100000000xf32, #tpu.memory_space<hbm>>) offsets(%arg10 : memref<10112xi32, #tpu.memory_space<vmem>>) semaphore(%arg12 : memref<!tpu.dma_semaphore, #tpu.memory_space<semaphore_mem>>)
    %dma_wait3A = arith.constant 0 : i32
    %dma_wait3A_30 = tpu.memref_slice %arg2[%dma_wait3A] : memref<100000000xf32, #tpu.memory_space<hbm>> -> memref<100000000xf32, #tpu.memory_space<hbm>>
    tpu.wait_indirect_dma semaphore(%arg12 : memref<!tpu.dma_semaphore, #tpu.memory_space<semaphore_mem>>) src(%arg11 : memref<10112xf32, #tpu.memory_space<vmem>>) dst(%dma_wait3A_30 : memref<100000000xf32, #tpu.memory_space<hbm>>)
    %dma_wait3A_31 = arith.constant 0 : i32
    %dma_wait3A_32 = tpu.memref_slice %arg2[%dma_wait3A_31] : memref<100000000xf32, #tpu.memory_space<hbm>> -> memref<100000000xf32, #tpu.memory_space<hbm>>
    tpu.wait_indirect_dma semaphore(%arg12 : memref<!tpu.dma_semaphore, #tpu.memory_space<semaphore_mem>>) src(%arg11 : memref<10112xf32, #tpu.memory_space<vmem>>) dst(%dma_wait3A_32 : memref<100000000xf32, #tpu.memory_space<hbm>>)
    return
  }
}

module attributes {stable_mosaic.version = 14 : i64} {
  func.func @_norm_body(%arg0: i32, %arg1: memref<200x10000xf32, #tpu.memory_space<vmem>>, %arg2: memref<200x10000xf32, #tpu.memory_space<vmem>>) attributes {dimension_semantics = [#tpu.dimension_semantics<arbitrary>], iteration_bounds = array<i64: 50>, scalar_prefetch = 0 : i64, scratch_operands = 0 : i64, tpu.core_type = #tpu.core_type<tc>, window_params = [{transform_indices = @transform_0, window_bounds = array<i64: 200, 10000>}, {transform_indices = @transform_1, window_bounds = array<i64: 200, 10000>}]} {
    %get3A = arith.constant 0 : index
    %get3A_0 = arith.constant 0 : index
    %get3A_1 = vector.load %arg1[%get3A, %get3A_0] : memref<200x10000xf32, #tpu.memory_space<vmem>>, vector<200x10000xf32>
    %reduce_sum3A = arith.constant dense<0.000000e+00> : vector<200xf32>
    %reduce_sum3A_2 = vector.multi_reduction <add>, %get3A_1, %reduce_sum3A [1] : vector<200x10000xf32> to vector<200xf32>
    %broadcast_in_dim3A = vector.shape_cast %reduce_sum3A_2 : vector<200xf32> to vector<200x1xf32>
    %add3A = arith.constant 1.000000e-10 : f32
    %add3A_3 = vector.broadcast %add3A : f32 to vector<200x1xf32>
    %add3A_4 = arith.addf %broadcast_in_dim3A, %add3A_3 : vector<200x1xf32>
    %div3A = vector.broadcast %add3A_4 : vector<200x1xf32> to vector<200x10000xf32>
    %div3A_5 = arith.divf %get3A_1, %div3A : vector<200x10000xf32>
    %swap3A = arith.constant 0 : index
    %swap3A_6 = arith.constant 0 : index
    %swap3A_7 = vector.load %arg2[%swap3A, %swap3A_6] : memref<200x10000xf32, #tpu.memory_space<vmem>>, vector<200x10000xf32>
    tpu.vector_store %arg2[%swap3A, %swap3A_6], %div3A_5 {strides = array<i32>} : memref<200x10000xf32, #tpu.memory_space<vmem>>, vector<200x10000xf32>,
    return
  }
  func.func @transform_0(%arg0: i32) -> (i32, i32) {
    %c0_i32 = arith.constant 0 : i32
    %c0_i32_0 = arith.constant 0 : i32
    return %arg0, %c0_i32 : i32, i32
  }
  func.func @transform_1(%arg0: i32) -> (i32, i32) {
    %c0_i32 = arith.constant 0 : i32
    %c0_i32_0 = arith.constant 0 : i32
    return %arg0, %c0_i32 : i32, i32
  }
}

</mosaic_0001>

<sc_bundles>
// kernel: kernel.5.cloned.1.call-start
scs
__scs_entry_jumppad:
0x0: {  	(pc) =	sbr.rel $0x88, $3  }
0x1: {  	(tag) =	ssettag $0x0;
	lr =	simm.s32 $0x1  }
0x2: {  	[smem:$0x3F9F] =	sst lr;
	_ =	strace $0xD0000000  }
0x3: {  	_ = 	snop  }
0x4: {  	_ = 	snop  }
0x5: {  	_ = 	snop  }
0x6: {  	_ = 	snop  }
0x7: {  	_ = 	snop  }
__scs_overlays_trampoline_lowered:
0x8: {  	[smem:$0x3FAE] =	sst s0  }
0x9: {  	[smem:$0x3FAF] =	sst s1  }
0xa: {  	[smem:$0x3FB0] =	sst s2  }
0xb: {  	[smem:$0x3FB1] =	sst s3  }
0xc: {  	[smem:$0x3FB2] =	sst s4  }
0xd: {  	[smem:$0x3FB3] =	sst s5  }
0xe: {  	[smem:$0x3FB4] =	sst s6  }
0xf: {  	[smem:$0x3FB5] =	sst s7  }
0x10: {  	[smem:$0x3FB6] =	sst s8  }
0x11: {  	[smem:$0x3FB7] =	sst s9;
	s0 =	simm.s32 @!p0 $0x0  }
0x12: {  	s1 =	sld [smem:$0x3F9D];
	s0 =	simm.s32 @p0 $0x1  }
0x13: {  	[smem:$0x3FB8] =	sst s0;
	s0 =	simm.s32 @!p1 $0x0  }
0x14: {  	s2 =	sld [smem:$0x3F9C];
	s0 =	simm.s32 @p1 $0x1  }
0x15: {  	[smem:$0x3FB9] =	sst s0;
	s0 =	simm.s32 @!p2 $0x0  }
0x16: {  	s3 =	sld [smem:$0x3FDB];
	s0 =	simm.s32 @p2 $0x1  }
0x17: {  	s4 =	simm.s32 $0x1BF5;
	[smem:$0x3FBB] =	sst s0  }
0x18: {  	s0 =	sld [smem:$0x3F9E];
	_ =	swait.ge [sflag:s4], $0x0  }
0x19: {  	s7 =	sld [smem:$0x3F9F]  }
0x1a: {  	s8 =	sadd.s32 $0xFFFFE003, lr  }
0x1b: {  	s9 =	sadd.s32 $0xFFFFFEF7, lr;
	s5 =	simm.s32 $0xFFFFFFFF;
	p2 =	slt.u32 s8, $0xFFFFF086  }
0x1c: {  	p1 =	slt.u32 s9, $0xF7A;
	s5 =	simm.s32 @!p2 $0x0  }
0x1d: {  	s5 =	simm.s32 @p1 $0x1;
	p0 =	seq.s32 s7, s2  }
0x1e: {  	s7 =	smul.u32 @!p0 $0xF7A, s2;
	p2 =	seq.s32 @!p0 s5, $0x0  }
0x1f: {  	s9 =	smul.u32 $0xF7A, s1;
	s8 =	simm.s32 @!p0 $0x1BF5;
	p2 =	por !p2, p0  }
0x20: {  	[sflag:s8] =	ssyncset.s32 @!p0 $0xFFFFF086;
	s6 =	sadd.s32 @!p0 s3, s7;
	s7 =	simm.s32 @!p0 $0x108  }
0x21: {  	s3 =	sadd.s32 s3, s9;
	s6 =	sadd.s32 @!p0 $0x88, s6;
	s7 =	simm.s32 @p2 $0x1082  }
0x22: {  	[simem:s7], [sflag:s8] =	dma.local @!p0 [hbm:s6], $0xF7A  }
0x23: {  	s9 =	sor.u32 $0xD0000000, s2;
	s6 =	simm.s32 $0x108;
	_ =	swait.ge @!p0 [sflag:s8], $0x0  }
0x24: {  	s3 =	sadd.s32 $0x88, s3;
	s6 =	simm.s32 @!p1 $0x1082;
	[sflag:s4] =	ssyncset.s32 $0xFFFFF086  }
0x25: {  	[simem:s6], [sflag:s4] =	dma.local [hbm:s3], $0xF7A  }
0x26: {  	[smem:$0x3F9F] =	sst s1;
	(tag) =	ssettag s2;
	_ =	strace s9  }
0x27: {  	s1 =	sld [smem:$0x3FAF]  }
0x28: {  	s2 =	sld [smem:$0x3FB0]  }
0x29: {  	s4 =	sld [smem:$0x3FB2]  }
0x2a: {  	p0 =	seq.s32 s5, $0x0;
	s5 =	sld [smem:$0x3FB3]  }
0x2b: {  	s6 =	sld [smem:$0x3FB4]  }
0x2c: {  	s7 =	sld [smem:$0x3FB5]  }
0x2d: {  	s3 =	simm.s32 $0x108;
	s8 =	sld [smem:$0x3FB6]  }
0x2e: {  	s3 =	simm.s32 @!p0 $0x1082;
	s9 =	sld [smem:$0x3FB7]  }
0x2f: {  	lr =	sadd.s32 s0, s3;
	s0 =	sld [smem:$0x3FAE]  }
0x30: {  	s3 =	sld [smem:$0x3FB1]  }
0x31: {  	[smem:$0x3FBA] =	sst s10  }
0x32: {  	s10 =	sld [smem:$0x3FB8];
	_ =	sdelay $0x3  }
0x33: {  	p0 =	seq.s32 s10, $0x1;
	s10 =	sld [smem:$0x3FBA];
	_ =	sdelay $0x3  }
0x34: {  	[smem:$0x3FBA] =	sst s10  }
0x35: {  	s10 =	sld [smem:$0x3FB9];
	_ =	sdelay $0x3  }
0x36: {  	p1 =	seq.s32 s10, $0x1;
	s10 =	sld [smem:$0x3FBA];
	_ =	sdelay $0x3  }
0x37: {  	[smem:$0x3FBA] =	sst s10  }
0x38: {  	s10 =	sld [smem:$0x3FBB]  }
0x39: {  	_ = 	snop;
	(pc) =	sbr.ind lr, $3  }
0x3a: {  	_ = 	snop  }
0x3b: {  	_ = 	snop  }
0x3c: {  	p2 =	seq.s32 s10, $0x1;
	s10 =	sld [smem:$0x3FBA]  }
0x3d: {  	_ =	shalt  }
0x3e: {  	_ =	shalt  }
0x3f: {  	_ =	shalt  }
0x40: {  	_ =	shalt  }
0x41: {  	_ =	shalt  }
0x42: {  	_ =	shalt  }
0x43: {  	_ =	shalt  }
0x44: {  	_ =	shalt  }
0x45: {  	_ =	shalt  }
0x46: {  	_ =	shalt  }
0x47: {  	_ =	shalt  }
0x48: {  	_ =	shalt  }
0x49: {  	_ =	shalt  }
0x4a: {  	_ =	shalt  }
0x4b: {  	_ =	shalt  }
0x4c: {  	_ =	shalt  }
0x4d: {  	_ =	shalt  }
0x4e: {  	_ =	shalt  }
0x4f: {  	_ =	shalt  }
0x50: {  	_ =	shalt  }
0x51: {  	_ =	shalt  }
0x52: {  	_ =	shalt  }
0x53: {  	_ =	shalt  }
0x54: {  	_ =	shalt  }
0x55: {  	_ =	shalt  }
0x56: {  	_ =	shalt  }
0x57: {  	_ =	shalt  }
0x58: {  	_ =	shalt  }
0x59: {  	_ =	shalt  }
0x5a: {  	_ =	shalt  }
0x5b: {  	_ =	shalt  }
0x5c: {  	_ =	shalt  }
0x5d: {  	_ =	shalt  }
0x5e: {  	_ =	shalt  }
0x5f: {  	_ =	shalt  }
0x60: {  	_ =	shalt  }
0x61: {  	_ =	shalt  }
0x62: {  	_ =	shalt  }
0x63: {  	_ =	shalt  }
0x64: {  	_ =	shalt  }
0x65: {  	_ =	shalt  }
0x66: {  	_ =	shalt  }
0x67: {  	_ =	shalt  }
0x68: {  	_ =	shalt  }
0x69: {  	_ =	shalt  }
0x6a: {  	_ =	shalt  }
0x6b: {  	_ =	shalt  }
0x6c: {  	_ =	shalt  }
0x6d: {  	_ =	shalt  }
0x6e: {  	_ =	shalt  }
0x6f: {  	_ =	shalt  }
0x70: {  	_ =	shalt  }
0x71: {  	_ =	shalt  }
0x72: {  	_ =	shalt  }
0x73: {  	_ =	shalt  }
0x74: {  	_ =	shalt  }
0x75: {  	_ =	shalt  }
0x76: {  	_ =	shalt  }
0x77: {  	_ =	shalt  }
0x78: {  	_ =	shalt  }
0x79: {  	_ =	shalt  }
0x7a: {  	_ =	shalt  }
0x7b: {  	_ =	shalt  }
0x7c: {  	_ =	shalt  }
0x7d: {  	_ =	shalt  }
0x7e: {  	_ =	shalt  }
0x7f: {  	_ =	shalt  }
0x80: {  	_ =	shalt  }
0x81: {  	_ =	shalt  }
0x82: {  	_ =	shalt  }
0x83: {  	_ =	shalt  }
0x84: {  	_ =	shalt  }
0x85: {  	_ =	shalt  }
0x86: {  	_ =	shalt  }
0x87: {  	_ =	shalt  }
.Lfunc_end0:
.L_simem_size_0:
called_computation_lowered:
.L_overlay_start_0:
0x88: {  	s2 =	sld [smem:$0x3FD9]  }
0x89: {  	s3 =	sld [smem:$0x3FFE];
	_ =	sdelay $0x1  }
0x8a: {  	s1 =	srdreg.scid  }
0x8b: {  	s0 =	sand.u32 $0x1, s1  }
0x8c: {  	s17 =	sshll.u32 s0, $0xA;
	s2 =	sadd.s32 s3, s2  }
0x8d: {  	s2 =	sadd.s32 s2, s17  }
0x8e: {  	[smem:$0x3FC6] =	sst s2  }
0x8f: {  	_ = 	snop  }
0x90: {  	s2 =	sld [smem:$0x3FD0];
	(tm) =	ssettm $0x1  }
0x91: {  	s18 =	sld [smem:$0x3FFB];
	_ =	sdelay $0x3  }
0x92: {  	_ =	strace s18  }
0x93: {  	s3 =	sld [smem:$0x3FFC];
	_ =	sdelay $0x3  }
0x94: {  	_ =	strace s3  }
0x95: {  	s3 =	sld [smem:$0x3FFD];
	_ =	sdelay $0x3  }
0x96: {  	_ =	strace s3  }
0x97: {  	_ =	strace $0x8FFFFFFF  }
0x98: {  	s19 =	sld [smem:$0x3FDB];
	_ =	sdelay $0x1  }
0x99: {  	s4 =	simm.s32 $_scs_section_size  }
0x9a: {  	s5 =	simm.s32 $_size__tile_overlayer_lowered;
	s6 =	simm.s32 $_tile_overlayer_lowered  }
0x9b: {  	s22 =	simm.s32 $0x1BFF;
	s21 =	sshll.u32 s6, $0x1;
	s3 =	sadd.s32 s4, s19  }
0x9c: {  	s7 =	simm.s32 $0x0;
	s20 =	sshll.u32 s5, $0x1;
	s5 =	sadd.s32 s21, s3  }
0x9d: {  	[timem:s7], [sflag:s22] =	dma.local [hbm:s5], s20  }
0x9e: {  	_ =	swait.ge [sflag:s22], s20  }
0x9f: {  	s4 =	ssub.s32 $0x0, s20;
	[sflag:s22] =	ssyncset.done $0x0  }
0xa0: {  	[sflag:s22] =	ssyncadd.s32 s4;
	_ =	sdelay $0x1  }
0xa1: {  	s23 =	simm.s32 $0x1B8B  }
0xa2: {  	_ =	swait.ge [sflag:s23], $0x1  }
0xa3: {  	[sflag:s23] =	ssyncset.done $0x0  }
0xa4: {  	s25 =	simm.s32 $0x1B8E;
	s24 =	sld [smem:$0x3FFE];
	[sflag:s23] =	ssyncadd.s32 $0xFFFFFFFF  }
0xa5: {  	s26 =	simm.s32 $execute0_lowered;
	[smem:$0x3FD2] =	sst s25  }
0xa6: {  	s5 =	sshll.u32 s26, $0x1;
	_ =	strace $0x80000046;
	[dreg:$0x1] =	wrdreg $0xFFFFFFFF  }
0xa7: {  	s28 =	simm.s32 $_size_execute0_lowered;
	s3 =	sadd.s32 s3, s5;
	[dreg:$0x0] =	wrdreg $0x0  }
0xa8: {  	s5 =	sshll.u32 s28, $0x1;
	[dreg:$0x2] =	wrdreg s3  }
0xa9: {  	[dreg:$0x3] =	wrdreg s5  }
0xaa: {  	[dreg:$0x4] =	wrdreg $0xC0  }
0xab: {  	_ =	task [dreg:s7], $0x5FFFF  }
0xac: {  	[dreg:$0x1] =	wrdreg $0xFFFFFFFF  }
0xad: {  	[dreg:$0x0] =	wrdreg $0x60  }
0xae: {  	[dreg:$0x2] =	wrdreg s2  }
0xaf: {  	[dreg:$0x3] =	wrdreg s24  }
0xb0: {  	[dreg:$0x4] =	wrdreg $0x9  }
0xb1: {  	_ =	task.clear_ibuf [dreg:s7], $0x5FFFF;
	_ =	strace $0x90000046  }
0xb2: {  	s29 =	simm.s32 $0x9;
	_ =	strace $0x80000048  }
0xb3: {  	_ =	swait.ge [sflag:s29], $0x1  }
0xb4: {  	[sflag:s29] =	ssyncadd.s32 $0xFFFFFFFF  }
0xb5: {  	_ =	strace $0x90000048  }
0xb6: {  	_ =	sfence  }
0xb7: {  	s30 =	sld [smem:$0x0];
	_ =	sdelay $0x2  }
0xb8: {  	s31 =	sshll.u32 s1, $0xD;
	s1 =	sshrl.u32 s1, $0x2  }
0xb9: {  	s3 =	sand.u32 $0x4000, s31;
	s1 =	sadd.s32 s1, s30  }
0xba: {  	s0 =	sor.u32 s3, s0;
	s1 =	sshll.u32 s1, $0x11  }
0xbb: {  	s0 =	sor.u32 s1, s0  }
0xbc: {  	s0 =	sadd.s32 $0x8F2B, s0  }
0xbd: {  	[sflag:s0] =	ssyncadd.remote.s32 $0x1  }
0xbe: {  	_ =	sfence.sel $0xFFFF  }
0xbf: {  	[dreg:$0x0] =	wrdreg $0xFFFFFFFF;
	(pc) =	sbr.abs _section_cstart, $3  }
0xc0: {  	[dreg:$0x1] =	wrdreg $0xFFFFFFFF  }
0xc1: {  	_ =	task.clear_ibuf [dreg:s7], $0x2FFFF;
	_ =	strace $0x9FFFFFFF  }
0xc2: {  	(tm) =	ssettm $0x7FFFFFFF  }
0xc3: {  	_ =	shalt  }
tec
execute0_lowered:
.L_overlay_start_1:
0x0: {  	(tag) =	ssettag $0x1  }
0x1: {  	s1 =	srdreg.scid  }
0x2: {  	s0 =	stileid.u32;
	s2 =	rddreg [dreg:$0x0]  }
0x3: {  	s5 =	rddreg [dreg:$0x1];
	s3 =	simm.s32 $0x0;
	s9 =	simm.s32 $0x2780  }
0x4: {  	s10 =	simm.s32 $0x9E00;
	s4 =	sand.u32 $0x1, s1;
	s31 =	sshll.u32 s0, $0x1  }
0x5: {  	s11 =	simm.s32 $0x4F00;
	s12 =	simm.s32 $0x7680;
	s6 =	sor.u32 s4, s31  }
0x6: {  	s13 =	simm.s32 $0x1;
	s1 =	rddreg [dreg:$0x2];
	s6 =	smul.u32 $0x4E2, s6  }
0x7: {  	s14 =	simm.s32 $0x0;
	[smem:$0x7FF] =	sst s3;
	s7 =	ssub.s32 $0x2, s4  }
0x8: {  	_ =	strace $0x80000047;
	s8 =	sshrl.u32 s7, $0x1;
	s6 =	sand.u32 $0xFFF0, s6  }
0x9: {  	s4 =	sadd.s32 $0x13C00, s5;
	s7 =	ssub.s32 s7, s8;
	s5 =	sadd.s32 s5, s6  }
0xa: {  	s8 =	simm.s32 $0x2;
	s7 =	smax.u32 s7, $0x1;
	s6 =	sadd.s32 $0x9E00, s5  }
.LBB2_1:
0xb: {  	[tilespmem:s3], [sflag:$0x2] =	stream.linear.gather [hbm4b:s6+s3], $0x2780, $0x38;
	[tilespmem:$0xC580] =	vst v63  }
0xc: {  	_ =	swait.ge [sflag:s8], $0x2780  }
0xd: {  	[sflag:s8] =	ssyncset.done $0x0  }
0xe: {  	[sflag:s8] =	ssyncadd.s32 $0xFFFFD880  }
0xf: {  	[tilespmem:s9], [sflag:$0x2] =	stream.linear.gather [hbm4b:s5+s3], $0x2780, $0x38;
	[tilespmem:$0xC580] =	vst v63  }
0x10: {  	_ =	swait.ge [sflag:s8], $0x2780  }
0x11: {  	[sflag:s8] =	ssyncset.done $0x0  }
0x12: {  	[sflag:s8] =	ssyncadd.s32 $0xFFFFD880  }
0x13: {  	[tilespmem:s10], [sflag:$0x2] =	stream.linear.gather [hbm4b:s4+s3], $0x2780, $0x38;
	[tilespmem:$0xC580] =	vst v63  }
0x14: {  	_ =	swait.ge [sflag:s8], $0x2780  }
0x15: {  	[sflag:s8] =	ssyncset.done $0x0  }
0x16: {  	s15 =	simm.s32 $0x0;
	[sflag:s8] =	ssyncadd.s32 $0xFFFFD880  }
0x17: {  	v2 =	vld [tilespmem:s15+$0x0]  }
0x18: {  	v1 =	vld [tilespmem:s15+$0x27F0]  }
0x19: {  	v4 =	vld [tilespmem:s15+$0x2780]  }
0x1a: {  	v3 =	vld [tilespmem:s15+$0x70]  }
0x1b: {  	v5 =	vld [tilespmem:s15+$0x10]  }
0x1c: {  	v6 =	vld [tilespmem:s15+$0x2790];
	v8 =	vmul.u32 $0x2710, v2  }
0x1d: {  	v0 =	vmul.u32 $0x2710, v1  }
0x1e: {  	v7 =	vld [tilespmem:s15+$0x20];
	v8 =	vadd.s32 v4, v8;
	v4 =	vmul.u32 $0x2710, v4  }
0x1f: {  	v9 =	vld [tilespmem:s15+$0x27A0];
	v10 =	vadd.s32 v3, v0  }
0x20: {  	v3 =	vmul.u32 $0x2710, v3;
	[tilespmem:s15+$0x76F0] =	vst v10;
	v2 =	vadd.s32 v2, v4  }
0x21: {  	v0 =	vld [tilespmem:s15+$0x30];
	v10 =	vmul.u32 $0x2710, v5;
	[tilespmem:s15+$0x7680] =	vst v2;
	v2 =	vmul.u32 $0x2710, v6  }
0x22: {  	[tilespmem:s15+$0x4F00] =	vst v8;
	v8 =	vld [tilespmem:s15+$0x27B0];
	v3 =	vadd.s32 v1, v3  }
0x23: {  	v1 =	vld [tilespmem:s15+$0x40];
	[tilespmem:s15+$0x4F70] =	vst v3;
	v3 =	vadd.s32 v6, v10;
	v6 =	vmul.u32 $0x2710, v7;
	v2 =	vadd.s32 v5, v2  }
0x24: {  	v4 =	vld [tilespmem:s15+$0x27C0];
	[tilespmem:s15+$0x7690] =	vst v2;
	v2 =	vmul.u32 $0x2710, v9  }
0x25: {  	[tilespmem:s15+$0x4F10] =	vst v3;
	v3 =	vld [tilespmem:s15+$0x50];
	v6 =	vadd.s32 v9, v6  }
0x26: {  	v5 =	vld [tilespmem:s15+$0x27D0];
	[tilespmem:s15+$0x4F20] =	vst v6;
	v6 =	vmul.u32 $0x2710, v0;
	v7 =	vadd.s32 v7, v2  }
0x27: {  	v2 =	vld [tilespmem:s15+$0x60];
	[tilespmem:s15+$0x76A0] =	vst v7;
	v7 =	vmul.u32 $0x2710, v8  }
0x28: {  	s16 =	simm.s32 $0x80;
	s17 =	simm.s32 $0x400;
	v9 =	vadd.s32 v8, v6;
	v6 =	vld [tilespmem:s15+$0x27E0];
	v8 =	vmul.u32 $0x2710, v1  }
.LBB2_2:
0x29: {  	p0 =	sne.s32 s17, $0x9C00;
	v10 =	vld [tilespmem:s16+$0x27F0];
	[tilespmem:s15+$0x4F30] =	vst v9;
	v0 =	vadd.s32 v0, v7;
	v7 =	vmul.u32 $0x2710, v4  }
0x2a: {  	v9 =	vld [tilespmem:s16+$0x0];
	[tilespmem:s15+$0x76B0] =	vst v0;
	v0 =	vadd.s32 v4, v8;
	v4 =	vmul.u32 $0x2710, v3  }
0x2b: {  	v8 =	vld [tilespmem:s16+$0x70];
	[tilespmem:s15+$0x4F40] =	vst v0;
	v0 =	vadd.s32 v1, v7;
	v1 =	vmul.u32 $0x2710, v5  }
0x2c: {  	v7 =	vld [tilespmem:s16+$0x2780];
	[tilespmem:s15+$0x76C0] =	vst v0;
	v0 =	vadd.s32 v5, v4;
	v4 =	vmul.u32 $0x2710, v2  }
0x2d: {  	v5 =	vld [tilespmem:s16+$0x10];
	[tilespmem:s15+$0x4F50] =	vst v0;
	v0 =	vadd.s32 v3, v1;
	v1 =	vmul.u32 $0x2710, v6  }
0x2e: {  	v3 =	vld [tilespmem:s16+$0x2790];
	v11 =	vmul.u32 $0x2710, v10;
	[tilespmem:s15+$0x76D0] =	vst v0;
	v0 =	vadd.s32 v6, v4  }
0x2f: {  	v4 =	vmul.u32 $0x2710, v9;
	v6 =	vld [tilespmem:s16+$0x20];
	[tilespmem:s15+$0x4F60] =	vst v0;
	v0 =	vadd.s32 v2, v1  }
0x30: {  	v2 =	vld [tilespmem:s16+$0x27A0];
	v1 =	vmul.u32 $0x2710, v8;
	v8 =	vadd.s32 v8, v11;
	[tilespmem:s15+$0x76E0] =	vst v0;
	s15 =	smov.u32 s16  }
0x31: {  	v4 =	vadd.s32 v7, v4;
	v7 =	vmul.u32 $0x2710, v7;
	v0 =	vld [tilespmem:s15+$0x30];
	[tilespmem:s15+$0x76F0] =	vst v8  }
0x32: {  	[tilespmem:s15+$0x4F00] =	vst v4;
	v4 =	vmul.u32 $0x2710, v5;
	v8 =	vld [tilespmem:s15+$0x27B0];
	v10 =	vadd.s32 v10, v1  }
0x33: {  	v7 =	vadd.s32 v9, v7;
	v9 =	vmul.u32 $0x2710, v3;
	v1 =	vld [tilespmem:s15+$0x40];
	[tilespmem:s15+$0x4F70] =	vst v10  }
.Ltmp0:
0x34: {  	[tilespmem:s15+$0x7680] =	vst v7;
	v3 =	vadd.s32 v3, v4;
	v7 =	vmul.u32 $0x2710, v6;
	v4 =	vld [tilespmem:s15+$0x27C0];
	(pc) =	sbr.rel @p0 .LBB2_2-.Ltmp0, $4  }
0x35: {  	[tilespmem:s15+$0x4F10] =	vst v3;
	v5 =	vadd.s32 v5, v9;
	v9 =	vmul.u32 $0x2710, v2;
	v3 =	vld [tilespmem:s15+$0x50]  }
0x36: {  	[tilespmem:s15+$0x7690] =	vst v5;
	v2 =	vadd.s32 v2, v7;
	v10 =	vmul.u32 $0x2710, v0;
	v5 =	vld [tilespmem:s15+$0x27D0]  }
0x37: {  	[tilespmem:s15+$0x4F20] =	vst v2;
	v6 =	vadd.s32 v6, v9;
	v7 =	vmul.u32 $0x2710, v8;
	v2 =	vld [tilespmem:s15+$0x60]  }
0x38: {  	s16 =	sshra.s32 s17, $0x2;
	s17 =	sadd.s32 $0x200, s17;
	[tilespmem:s15+$0x76A0] =	vst v6;
	v9 =	vadd.s32 v8, v10;
	v8 =	vmul.u32 $0x2710, v1;
	v6 =	vld [tilespmem:s15+$0x27E0]  }
0x39: {  	v10 =	vld [tilespmem:s16+$0x27F0];
	[tilespmem:s15+$0x4F30] =	vst v9;
	v0 =	vadd.s32 v0, v7;
	v19 =	vmul.u32 $0x2710, v4  }
0x3a: {  	v18 =	vld [tilespmem:s16+$0x0];
	[tilespmem:s15+$0x76B0] =	vst v0;
	v20 =	vadd.s32 v4, v8;
	v22 =	vmul.u32 $0x2710, v3  }
0x3b: {  	v21 =	vld [tilespmem:s16+$0x70];
	[tilespmem:s15+$0x4F40] =	vst v20;
	v0 =	vadd.s32 v1, v19;
	v24 =	vmul.u32 $0x2710, v5  }
0x3c: {  	v23 =	vld [tilespmem:s16+$0x2780];
	[tilespmem:s15+$0x76C0] =	vst v0;
	v4 =	vadd.s32 v5, v22;
	v26 =	vmul.u32 $0x2710, v2  }
0x3d: {  	v25 =	vld [tilespmem:s16+$0x10];
	[tilespmem:s15+$0x4F50] =	vst v4;
	v0 =	vadd.s32 v3, v24;
	v28 =	vmul.u32 $0x2710, v6  }
0x3e: {  	v27 =	vld [tilespmem:s16+$0x2790];
	[tilespmem:s15+$0x76D0] =	vst v0;
	v4 =	vadd.s32 v6, v26;
	v30 =	vmul.u32 $0x2710, v10  }
0x3f: {  	v29 =	vld [tilespmem:s16+$0x20];
	[tilespmem:s15+$0x4F60] =	vst v4;
	v0 =	vadd.s32 v2, v28;
	v32 =	vmul.u32 $0x2710, v18  }
0x40: {  	v31 =	vld [tilespmem:s16+$0x27A0];
	[tilespmem:s15+$0x76E0] =	vst v0;
	v33 =	vadd.s32 v21, v30;
	v35 =	vmul.u32 $0x2710, v21  }
0x41: {  	v34 =	vld [tilespmem:s16+$0x30];
	v9 =	vadd.s32 v23, v32;
	[tilespmem:s16+$0x76F0] =	vst v33;
	v1 =	vmul.u32 $0x2710, v23  }
0x42: {  	v36 =	vld [tilespmem:s16+$0x27B0];
	[tilespmem:s16+$0x4F00] =	vst v9;
	v0 =	vadd.s32 v10, v35;
	v38 =	vmul.u32 $0x2710, v25  }
0x43: {  	v37 =	vld [tilespmem:s16+$0x40];
	v1 =	vadd.s32 v18, v1;
	[tilespmem:s16+$0x4F70] =	vst v0;
	v39 =	vmul.u32 $0x2710, v27  }
0x44: {  	v41 =	vld [tilespmem:s16+$0x27C0];
	[tilespmem:s16+$0x7680] =	vst v1;
	v40 =	vadd.s32 v27, v38;
	v42 =	vmul.u32 $0x2710, v29  }
0x45: {  	v43 =	vld [tilespmem:s16+$0x50];
	[tilespmem:s16+$0x4F10] =	vst v40;
	v0 =	vadd.s32 v25, v39;
	v44 =	vmul.u32 $0x2710, v31  }
0x46: {  	v45 =	vld [tilespmem:s16+$0x27D0];
	[tilespmem:s16+$0x7690] =	vst v0;
	v1 =	vadd.s32 v31, v42;
	v46 =	vmul.u32 $0x2710, v34  }
0x47: {  	v47 =	vld [tilespmem:s16+$0x60];
	v48 =	vmul.u32 $0x2710, v36;
	[tilespmem:s16+$0x4F20] =	vst v1;
	v0 =	vadd.s32 v29, v44  }
0x48: {  	v51 =	vld [tilespmem:s16+$0x27E0];
	v50 =	vmul.u32 $0x2710, v37;
	[tilespmem:s16+$0x76A0] =	vst v0;
	v49 =	vadd.s32 v36, v46  }
0x49: {  	v53 =	vmul.u32 $0x2710, v41;
	v52 =	vadd.s32 v34, v48;
	[tilespmem:s16+$0x4F30] =	vst v49  }
0x4a: {  	v55 =	vmul.u32 $0x2710, v43;
	v54 =	vadd.s32 v41, v50;
	[tilespmem:s16+$0x76B0] =	vst v52  }
0x4b: {  	v57 =	vmul.u32 $0x2710, v45;
	v56 =	vadd.s32 v37, v53;
	[tilespmem:s16+$0x4F40] =	vst v54  }
0x4c: {  	v59 =	vmul.u32 $0x2710, v47;
	v58 =	vadd.s32 v45, v55;
	[tilespmem:s16+$0x76C0] =	vst v56  }
0x4d: {  	v61 =	vmul.u32 $0x2710, v51;
	v60 =	vadd.s32 v43, v57;
	[tilespmem:s16+$0x4F50] =	vst v58  }
0x4e: {  	v62 =	vadd.s32 v51, v59;
	[tilespmem:s16+$0x76D0] =	vst v60  }
0x4f: {  	v63 =	vadd.s32 v47, v61;
	[tilespmem:s16+$0x4F60] =	vst v62  }
0x50: {  	[tilespmem:s16+$0x76E0] =	vst v63  }
0x51: {  	[hbm4b:s2+s9] =	stream.indirect.scatter [tilespmem:s10], [sflag:$0x1], $0x1, s11, s9, $0xb8;
	[tilespmem:$0xC580] =	vst v63  }
0x52: {  	s14 =	sadd.s32 $0x1, s14  }
0x53: {  	[hbm4b:s2+s9] =	stream.indirect.scatter [tilespmem:s10], [sflag:$0x1], $0x1, s12, s9, $0xb8;
	[tilespmem:$0xC580] =	vst v63  }
0x54: {  	p0 =	sne.s32 s14, s7;
	_ =	swait.ge [sflag:s13], $0x2780  }
.Ltmp1:
0x55: {  	[sflag:s13] =	ssyncset.done $0x0;
	(pc) =	sbr.rel @p0 .LBB2_1-.Ltmp1, $4  }
0x56: {  	[sflag:s13] =	ssyncadd.s32 $0xFFFFD880  }
0x57: {  	_ =	swait.ge [sflag:s13], $0x2780  }
0x58: {  	[sflag:s13] =	ssyncset.done $0x0  }
0x59: {  	[sflag:s13] =	ssyncadd.s32 $0xFFFFD880  }
0x5a: {  	_ =	sfence.sel $0x180000  }
0x5b: {  	[bflag:$0x0] =	sbarrier.arrive $0xFFFF  }
0x5c: {  	p0 =	sne.s32 s0, $0x0;
	_ =	strace $0x90000047  }
0x5d: {  	s0 =	sadd.s32 @!p0 $0x100000, s1;
	[bflag:$0x2] =	sbarrier.arrive $0xFFFF  }
0x5e: {  	[sflag:s0] =	ssyncadd.tile.s32 @!p0 $0x1;
	_ =	shalt  }
.Lfunc_end2:
_tile_overlayer_lowered:
.L_overlay_start_2:
0x5f: {  	(tag) =	ssettag $0x2  }
0x60: {  	s0 =	rddreg [dreg:$0x0];
	s2 =	stileid.u32  }
0x61: {  	s1 =	rddreg [dreg:$0x1];
	p0 =	sne.s32 s2, $0x0  }
0x62: {  	s3 =	rddreg [dreg:$0x2];
	[bflag:$0x3] =	sbarrier.arrive $0xFFFF;
	s2 =	simm.s32 @!p0 $0x1C02  }
0x63: {  	[timem:s3], [sflag:s2] =	dma.local @!p0 [hbm:s0], s1  }
0x64: {  	s0 =	simm.s32 @!p0 $0x2  }
0x65: {  	_ =	swait.ge @!p0 [sflag:s0], s1  }
0x66: {  	s1 =	ssub.s32 @!p0 $0x0, s1;
	[sflag:s0] =	ssyncset.done @!p0 $0x0  }
0x67: {  	[sflag:s0] =	ssyncadd.s32 @!p0 s1  }
0x68: {  	[bflag:$0x3] =	sbarrier.arrive $0xFFFF  }
0x69: {  	_ =	shalt  }

// kernel: kernel.8.cloned.1.call-start
scs
__scs_entry_jumppad:
0x0: {  	(pc) =	sbr.rel $0x88, $3  }
0x1: {  	(tag) =	ssettag $0x0;
	lr =	simm.s32 $0x1  }
0x2: {  	[smem:$0x3F9F] =	sst lr;
	_ =	strace $0xD0000000  }
0x3: {  	_ = 	snop  }
0x4: {  	_ = 	snop  }
0x5: {  	_ = 	snop  }
0x6: {  	_ = 	snop  }
0x7: {  	_ = 	snop  }
__scs_overlays_trampoline_lowered:
0x8: {  	[smem:$0x3FAE] =	sst s0  }
0x9: {  	[smem:$0x3FAF] =	sst s1  }
0xa: {  	[smem:$0x3FB0] =	sst s2  }
0xb: {  	[smem:$0x3FB1] =	sst s3  }
0xc: {  	[smem:$0x3FB2] =	sst s4  }
0xd: {  	[smem:$0x3FB3] =	sst s5  }
0xe: {  	[smem:$0x3FB4] =	sst s6  }
0xf: {  	[smem:$0x3FB5] =	sst s7  }
0x10: {  	[smem:$0x3FB6] =	sst s8  }
0x11: {  	[smem:$0x3FB7] =	sst s9;
	s0 =	simm.s32 @!p0 $0x0  }
0x12: {  	s1 =	sld [smem:$0x3F9D];
	s0 =	simm.s32 @p0 $0x1  }
0x13: {  	[smem:$0x3FB8] =	sst s0;
	s0 =	simm.s32 @!p1 $0x0  }
0x14: {  	s2 =	sld [smem:$0x3F9C];
	s0 =	simm.s32 @p1 $0x1  }
0x15: {  	[smem:$0x3FB9] =	sst s0;
	s0 =	simm.s32 @!p2 $0x0  }
0x16: {  	s3 =	sld [smem:$0x3FDB];
	s0 =	simm.s32 @p2 $0x1  }
0x17: {  	s4 =	simm.s32 $0x1BF5;
	[smem:$0x3FBB] =	sst s0  }
0x18: {  	s0 =	sld [smem:$0x3F9E];
	_ =	swait.ge [sflag:s4], $0x0  }
0x19: {  	s7 =	sld [smem:$0x3F9F]  }
0x1a: {  	s8 =	sadd.s32 $0xFFFFE003, lr  }
0x1b: {  	s9 =	sadd.s32 $0xFFFFFEF7, lr;
	s5 =	simm.s32 $0xFFFFFFFF;
	p2 =	slt.u32 s8, $0xFFFFF086  }
0x1c: {  	p1 =	slt.u32 s9, $0xF7A;
	s5 =	simm.s32 @!p2 $0x0  }
0x1d: {  	s5 =	simm.s32 @p1 $0x1;
	p0 =	seq.s32 s7, s2  }
0x1e: {  	s7 =	smul.u32 @!p0 $0xF7A, s2;
	p2 =	seq.s32 @!p0 s5, $0x0  }
0x1f: {  	s9 =	smul.u32 $0xF7A, s1;
	s8 =	simm.s32 @!p0 $0x1BF5;
	p2 =	por !p2, p0  }
0x20: {  	[sflag:s8] =	ssyncset.s32 @!p0 $0xFFFFF086;
	s6 =	sadd.s32 @!p0 s3, s7;
	s7 =	simm.s32 @!p0 $0x108  }
0x21: {  	s3 =	sadd.s32 s3, s9;
	s6 =	sadd.s32 @!p0 $0x88, s6;
	s7 =	simm.s32 @p2 $0x1082  }
0x22: {  	[simem:s7], [sflag:s8] =	dma.local @!p0 [hbm:s6], $0xF7A  }
0x23: {  	s9 =	sor.u32 $0xD0000000, s2;
	s6 =	simm.s32 $0x108;
	_ =	swait.ge @!p0 [sflag:s8], $0x0  }
0x24: {  	s3 =	sadd.s32 $0x88, s3;
	s6 =	simm.s32 @!p1 $0x1082;
	[sflag:s4] =	ssyncset.s32 $0xFFFFF086  }
0x25: {  	[simem:s6], [sflag:s4] =	dma.local [hbm:s3], $0xF7A  }
0x26: {  	[smem:$0x3F9F] =	sst s1;
	(tag) =	ssettag s2;
	_ =	strace s9  }
0x27: {  	s1 =	sld [smem:$0x3FAF]  }
0x28: {  	s2 =	sld [smem:$0x3FB0]  }
0x29: {  	s4 =	sld [smem:$0x3FB2]  }
0x2a: {  	p0 =	seq.s32 s5, $0x0;
	s5 =	sld [smem:$0x3FB3]  }
0x2b: {  	s6 =	sld [smem:$0x3FB4]  }
0x2c: {  	s7 =	sld [smem:$0x3FB5]  }
0x2d: {  	s3 =	simm.s32 $0x108;
	s8 =	sld [smem:$0x3FB6]  }
0x2e: {  	s3 =	simm.s32 @!p0 $0x1082;
	s9 =	sld [smem:$0x3FB7]  }
0x2f: {  	lr =	sadd.s32 s0, s3;
	s0 =	sld [smem:$0x3FAE]  }
0x30: {  	s3 =	sld [smem:$0x3FB1]  }
0x31: {  	[smem:$0x3FBA] =	sst s10  }
0x32: {  	s10 =	sld [smem:$0x3FB8];
	_ =	sdelay $0x3  }
0x33: {  	p0 =	seq.s32 s10, $0x1;
	s10 =	sld [smem:$0x3FBA];
	_ =	sdelay $0x3  }
0x34: {  	[smem:$0x3FBA] =	sst s10  }
0x35: {  	s10 =	sld [smem:$0x3FB9];
	_ =	sdelay $0x3  }
0x36: {  	p1 =	seq.s32 s10, $0x1;
	s10 =	sld [smem:$0x3FBA];
	_ =	sdelay $0x3  }
0x37: {  	[smem:$0x3FBA] =	sst s10  }
0x38: {  	s10 =	sld [smem:$0x3FBB]  }
0x39: {  	_ = 	snop;
	(pc) =	sbr.ind lr, $3  }
0x3a: {  	_ = 	snop  }
0x3b: {  	_ = 	snop  }
0x3c: {  	p2 =	seq.s32 s10, $0x1;
	s10 =	sld [smem:$0x3FBA]  }
0x3d: {  	_ =	shalt  }
0x3e: {  	_ =	shalt  }
0x3f: {  	_ =	shalt  }
0x40: {  	_ =	shalt  }
0x41: {  	_ =	shalt  }
0x42: {  	_ =	shalt  }
0x43: {  	_ =	shalt  }
0x44: {  	_ =	shalt  }
0x45: {  	_ =	shalt  }
0x46: {  	_ =	shalt  }
0x47: {  	_ =	shalt  }
0x48: {  	_ =	shalt  }
0x49: {  	_ =	shalt  }
0x4a: {  	_ =	shalt  }
0x4b: {  	_ =	shalt  }
0x4c: {  	_ =	shalt  }
0x4d: {  	_ =	shalt  }
0x4e: {  	_ =	shalt  }
0x4f: {  	_ =	shalt  }
0x50: {  	_ =	shalt  }
0x51: {  	_ =	shalt  }
0x52: {  	_ =	shalt  }
0x53: {  	_ =	shalt  }
0x54: {  	_ =	shalt  }
0x55: {  	_ =	shalt  }
0x56: {  	_ =	shalt  }
0x57: {  	_ =	shalt  }
0x58: {  	_ =	shalt  }
0x59: {  	_ =	shalt  }
0x5a: {  	_ =	shalt  }
0x5b: {  	_ =	shalt  }
0x5c: {  	_ =	shalt  }
0x5d: {  	_ =	shalt  }
0x5e: {  	_ =	shalt  }
0x5f: {  	_ =	shalt  }
0x60: {  	_ =	shalt  }
0x61: {  	_ =	shalt  }
0x62: {  	_ =	shalt  }
0x63: {  	_ =	shalt  }
0x64: {  	_ =	shalt  }
0x65: {  	_ =	shalt  }
0x66: {  	_ =	shalt  }
0x67: {  	_ =	shalt  }
0x68: {  	_ =	shalt  }
0x69: {  	_ =	shalt  }
0x6a: {  	_ =	shalt  }
0x6b: {  	_ =	shalt  }
0x6c: {  	_ =	shalt  }
0x6d: {  	_ =	shalt  }
0x6e: {  	_ =	shalt  }
0x6f: {  	_ =	shalt  }
0x70: {  	_ =	shalt  }
0x71: {  	_ =	shalt  }
0x72: {  	_ =	shalt  }
0x73: {  	_ =	shalt  }
0x74: {  	_ =	shalt  }
0x75: {  	_ =	shalt  }
0x76: {  	_ =	shalt  }
0x77: {  	_ =	shalt  }
0x78: {  	_ =	shalt  }
0x79: {  	_ =	shalt  }
0x7a: {  	_ =	shalt  }
0x7b: {  	_ =	shalt  }
0x7c: {  	_ =	shalt  }
0x7d: {  	_ =	shalt  }
0x7e: {  	_ =	shalt  }
0x7f: {  	_ =	shalt  }
0x80: {  	_ =	shalt  }
0x81: {  	_ =	shalt  }
0x82: {  	_ =	shalt  }
0x83: {  	_ =	shalt  }
0x84: {  	_ =	shalt  }
0x85: {  	_ =	shalt  }
0x86: {  	_ =	shalt  }
0x87: {  	_ =	shalt  }
.Lfunc_end0:
.L_simem_size_0:
called_computation.1_lowered:
.L_overlay_start_0:
0x88: {  	s2 =	sld [smem:$0x3FD9]  }
0x89: {  	s3 =	sld [smem:$0x3FFE];
	_ =	sdelay $0x1  }
0x8a: {  	s1 =	srdreg.scid  }
0x8b: {  	s0 =	sand.u32 $0x1, s1  }
0x8c: {  	s17 =	sshll.u32 s0, $0xA;
	s2 =	sadd.s32 s3, s2  }
0x8d: {  	s2 =	sadd.s32 s2, s17  }
0x8e: {  	[smem:$0x3FC6] =	sst s2  }
0x8f: {  	_ = 	snop  }
0x90: {  	s2 =	sld [smem:$0x3FD0];
	(tm) =	ssettm $0x1  }
0x91: {  	s18 =	sld [smem:$0x3FFB];
	_ =	sdelay $0x3  }
0x92: {  	_ =	strace s18  }
0x93: {  	s3 =	sld [smem:$0x3FFC];
	_ =	sdelay $0x3  }
0x94: {  	_ =	strace s3  }
0x95: {  	s3 =	sld [smem:$0x3FFD];
	_ =	sdelay $0x3  }
0x96: {  	_ =	strace s3  }
0x97: {  	_ =	strace $0x8FFFFFFF  }
0x98: {  	s19 =	sld [smem:$0x3FDB];
	_ =	sdelay $0x1  }
0x99: {  	s4 =	simm.s32 $_scs_section_size  }
0x9a: {  	s5 =	simm.s32 $_size__tile_overlayer_lowered;
	s6 =	simm.s32 $_tile_overlayer_lowered  }
0x9b: {  	s22 =	simm.s32 $0x1BFF;
	s21 =	sshll.u32 s6, $0x1;
	s3 =	sadd.s32 s4, s19  }
0x9c: {  	s7 =	simm.s32 $0x0;
	s20 =	sshll.u32 s5, $0x1;
	s5 =	sadd.s32 s21, s3  }
0x9d: {  	[timem:s7], [sflag:s22] =	dma.local [hbm:s5], s20  }
0x9e: {  	_ =	swait.ge [sflag:s22], s20  }
0x9f: {  	s4 =	ssub.s32 $0x0, s20;
	[sflag:s22] =	ssyncset.done $0x0  }
0xa0: {  	[sflag:s22] =	ssyncadd.s32 s4;
	_ =	sdelay $0x1  }
0xa1: {  	s23 =	simm.s32 $0x1B8B  }
0xa2: {  	_ =	swait.ge [sflag:s23], $0x1  }
0xa3: {  	[sflag:s23] =	ssyncset.done $0x0  }
0xa4: {  	s25 =	simm.s32 $0x1B8E;
	s24 =	sld [smem:$0x3FFE];
	[sflag:s23] =	ssyncadd.s32 $0xFFFFFFFF  }
0xa5: {  	s26 =	simm.s32 $execute0_lowered;
	[smem:$0x3FD2] =	sst s25  }
0xa6: {  	s5 =	sshll.u32 s26, $0x1;
	_ =	strace $0x80000049;
	[dreg:$0x1] =	wrdreg $0xFFFFFFFF  }
0xa7: {  	s28 =	simm.s32 $_size_execute0_lowered;
	s3 =	sadd.s32 s3, s5;
	[dreg:$0x0] =	wrdreg $0x0  }
0xa8: {  	s5 =	sshll.u32 s28, $0x1;
	[dreg:$0x2] =	wrdreg s3  }
0xa9: {  	[dreg:$0x3] =	wrdreg s5  }
0xaa: {  	[dreg:$0x4] =	wrdreg $0xC0  }
0xab: {  	_ =	task [dreg:s7], $0x5FFFF  }
0xac: {  	[dreg:$0x1] =	wrdreg $0xFFFFFFFF  }
0xad: {  	[dreg:$0x0] =	wrdreg $0x60  }
0xae: {  	[dreg:$0x2] =	wrdreg s2  }
0xaf: {  	[dreg:$0x3] =	wrdreg s24  }
0xb0: {  	[dreg:$0x4] =	wrdreg $0x9  }
0xb1: {  	_ =	task.clear_ibuf [dreg:s7], $0x5FFFF;
	_ =	strace $0x90000049  }
0xb2: {  	s29 =	simm.s32 $0x9;
	_ =	strace $0x8000004B  }
0xb3: {  	_ =	swait.ge [sflag:s29], $0x1  }
0xb4: {  	[sflag:s29] =	ssyncadd.s32 $0xFFFFFFFF  }
0xb5: {  	_ =	strace $0x9000004B  }
0xb6: {  	_ =	sfence  }
0xb7: {  	s30 =	sld [smem:$0x0];
	_ =	sdelay $0x2  }
0xb8: {  	s31 =	sshll.u32 s1, $0xD;
	s1 =	sshrl.u32 s1, $0x2  }
0xb9: {  	s3 =	sand.u32 $0x4000, s31;
	s1 =	sadd.s32 s1, s30  }
0xba: {  	s0 =	sor.u32 s3, s0;
	s1 =	sshll.u32 s1, $0x11  }
0xbb: {  	s0 =	sor.u32 s1, s0  }
0xbc: {  	s0 =	sadd.s32 $0x8F2B, s0  }
0xbd: {  	[sflag:s0] =	ssyncadd.remote.s32 $0x1  }
0xbe: {  	_ =	sfence.sel $0xFFFF  }
0xbf: {  	[dreg:$0x0] =	wrdreg $0xFFFFFFFF;
	(pc) =	sbr.abs _section_cstart, $3  }
0xc0: {  	[dreg:$0x1] =	wrdreg $0xFFFFFFFF  }
0xc1: {  	_ =	task.clear_ibuf [dreg:s7], $0x2FFFF;
	_ =	strace $0x9FFFFFFF  }
0xc2: {  	(tm) =	ssettm $0x7FFFFFFF  }
0xc3: {  	_ =	shalt  }
tec
execute0_lowered:
.L_overlay_start_1:
0x0: {  	(tag) =	ssettag $0x1  }
0x1: {  	s1 =	srdreg.scid  }
0x2: {  	s0 =	stileid.u32;
	s2 =	rddreg [dreg:$0x0]  }
0x3: {  	s3 =	rddreg [dreg:$0x1];
	s4 =	simm.s32 $0x0;
	s8 =	simm.s32 $0x2  }
0x4: {  	s9 =	simm.s32 $0x2780;
	s5 =	sand.u32 $0x1, s1;
	s31 =	sshll.u32 s0, $0x1  }
0x5: {  	s10 =	simm.s32 $0x9E00;
	s11 =	simm.s32 $0x4F00;
	s1 =	sor.u32 s5, s31  }
0x6: {  	s12 =	simm.s32 $0x7680;
	s13 =	simm.s32 $0x1;
	s6 =	smul.u32 $0x4E2, s1  }
0x7: {  	s14 =	simm.s32 $0x0;
	[smem:$0x7FF] =	sst s4;
	s5 =	ssub.s32 $0x2, s5  }
0x8: {  	s1 =	rddreg [dreg:$0x2];
	s7 =	sshrl.u32 s5, $0x1;
	s6 =	sand.u32 $0xFFF0, s6  }
0x9: {  	_ =	strace $0x8000004A;
	s7 =	ssub.s32 s5, s7;
	s6 =	sadd.s32 s6, s3  }
0xa: {  	s7 =	smax.u32 s7, $0x1;
	s5 =	sadd.s32 $0x1E000, s6;
	s6 =	sadd.s32 $0x14200, s6  }
.LBB2_1:
0xb: {  	[tilespmem:s4], [sflag:$0x2] =	stream.linear.gather [hbm4b:s5+s4], $0x2780, $0x38;
	[tilespmem:$0xC580] =	vst v63  }
0xc: {  	_ =	swait.ge [sflag:s8], $0x2780  }
0xd: {  	[sflag:s8] =	ssyncset.done $0x0  }
0xe: {  	[sflag:s8] =	ssyncadd.s32 $0xFFFFD880  }
0xf: {  	[tilespmem:s9], [sflag:$0x2] =	stream.linear.gather [hbm4b:s6+s4], $0x2780, $0x38;
	[tilespmem:$0xC580] =	vst v63  }
0x10: {  	_ =	swait.ge [sflag:s8], $0x2780  }
0x11: {  	[sflag:s8] =	ssyncset.done $0x0  }
0x12: {  	[sflag:s8] =	ssyncadd.s32 $0xFFFFD880  }
0x13: {  	[tilespmem:s10], [sflag:$0x2] =	stream.linear.gather [hbm4b:s3+s4], $0x2780, $0x38;
	[tilespmem:$0xC580] =	vst v63  }
0x14: {  	_ =	swait.ge [sflag:s8], $0x2780  }
0x15: {  	[sflag:s8] =	ssyncset.done $0x0  }
0x16: {  	s15 =	simm.s32 $0x0;
	[sflag:s8] =	ssyncadd.s32 $0xFFFFD880  }
0x17: {  	v2 =	vld [tilespmem:s15+$0x0]  }
0x18: {  	v1 =	vld [tilespmem:s15+$0x27F0]  }
0x19: {  	v4 =	vld [tilespmem:s15+$0x2780]  }
0x1a: {  	v3 =	vld [tilespmem:s15+$0x70]  }
0x1b: {  	v5 =	vld [tilespmem:s15+$0x10]  }
0x1c: {  	v6 =	vld [tilespmem:s15+$0x2790];
	v8 =	vmul.u32 $0x2710, v2  }
0x1d: {  	v0 =	vmul.u32 $0x2710, v1  }
0x1e: {  	v7 =	vld [tilespmem:s15+$0x20];
	v8 =	vadd.s32 v4, v8;
	v4 =	vmul.u32 $0x2710, v4  }
0x1f: {  	v9 =	vld [tilespmem:s15+$0x27A0];
	v10 =	vadd.s32 v3, v0  }
0x20: {  	v3 =	vmul.u32 $0x2710, v3;
	[tilespmem:s15+$0x76F0] =	vst v10;
	v2 =	vadd.s32 v2, v4  }
0x21: {  	v0 =	vld [tilespmem:s15+$0x30];
	v10 =	vmul.u32 $0x2710, v5;
	[tilespmem:s15+$0x7680] =	vst v2;
	v2 =	vmul.u32 $0x2710, v6  }
0x22: {  	[tilespmem:s15+$0x4F00] =	vst v8;
	v8 =	vld [tilespmem:s15+$0x27B0];
	v3 =	vadd.s32 v1, v3  }
0x23: {  	v1 =	vld [tilespmem:s15+$0x40];
	[tilespmem:s15+$0x4F70] =	vst v3;
	v3 =	vadd.s32 v6, v10;
	v6 =	vmul.u32 $0x2710, v7;
	v2 =	vadd.s32 v5, v2  }
0x24: {  	v4 =	vld [tilespmem:s15+$0x27C0];
	[tilespmem:s15+$0x7690] =	vst v2;
	v2 =	vmul.u32 $0x2710, v9  }
0x25: {  	[tilespmem:s15+$0x4F10] =	vst v3;
	v3 =	vld [tilespmem:s15+$0x50];
	v6 =	vadd.s32 v9, v6  }
0x26: {  	v5 =	vld [tilespmem:s15+$0x27D0];
	[tilespmem:s15+$0x4F20] =	vst v6;
	v6 =	vmul.u32 $0x2710, v0;
	v7 =	vadd.s32 v7, v2  }
0x27: {  	v2 =	vld [tilespmem:s15+$0x60];
	[tilespmem:s15+$0x76A0] =	vst v7;
	v7 =	vmul.u32 $0x2710, v8  }
0x28: {  	s16 =	simm.s32 $0x80;
	s17 =	simm.s32 $0x400;
	v9 =	vadd.s32 v8, v6;
	v6 =	vld [tilespmem:s15+$0x27E0];
	v8 =	vmul.u32 $0x2710, v1  }
.LBB2_2:
0x29: {  	p0 =	sne.s32 s17, $0x9C00;
	v10 =	vld [tilespmem:s16+$0x27F0];
	[tilespmem:s15+$0x4F30] =	vst v9;
	v0 =	vadd.s32 v0, v7;
	v7 =	vmul.u32 $0x2710, v4  }
0x2a: {  	v9 =	vld [tilespmem:s16+$0x0];
	[tilespmem:s15+$0x76B0] =	vst v0;
	v0 =	vadd.s32 v4, v8;
	v4 =	vmul.u32 $0x2710, v3  }
0x2b: {  	v8 =	vld [tilespmem:s16+$0x70];
	[tilespmem:s15+$0x4F40] =	vst v0;
	v0 =	vadd.s32 v1, v7;
	v1 =	vmul.u32 $0x2710, v5  }
0x2c: {  	v7 =	vld [tilespmem:s16+$0x2780];
	[tilespmem:s15+$0x76C0] =	vst v0;
	v0 =	vadd.s32 v5, v4;
	v4 =	vmul.u32 $0x2710, v2  }
0x2d: {  	v5 =	vld [tilespmem:s16+$0x10];
	[tilespmem:s15+$0x4F50] =	vst v0;
	v0 =	vadd.s32 v3, v1;
	v1 =	vmul.u32 $0x2710, v6  }
0x2e: {  	v3 =	vld [tilespmem:s16+$0x2790];
	v11 =	vmul.u32 $0x2710, v10;
	[tilespmem:s15+$0x76D0] =	vst v0;
	v0 =	vadd.s32 v6, v4  }
0x2f: {  	v4 =	vmul.u32 $0x2710, v9;
	v6 =	vld [tilespmem:s16+$0x20];
	[tilespmem:s15+$0x4F60] =	vst v0;
	v0 =	vadd.s32 v2, v1  }
0x30: {  	v2 =	vld [tilespmem:s16+$0x27A0];
	v1 =	vmul.u32 $0x2710, v8;
	v8 =	vadd.s32 v8, v11;
	[tilespmem:s15+$0x76E0] =	vst v0;
	s15 =	smov.u32 s16  }
0x31: {  	v4 =	vadd.s32 v7, v4;
	v7 =	vmul.u32 $0x2710, v7;
	v0 =	vld [tilespmem:s15+$0x30];
	[tilespmem:s15+$0x76F0] =	vst v8  }
0x32: {  	[tilespmem:s15+$0x4F00] =	vst v4;
	v4 =	vmul.u32 $0x2710, v5;
	v8 =	vld [tilespmem:s15+$0x27B0];
	v10 =	vadd.s32 v10, v1  }
0x33: {  	v7 =	vadd.s32 v9, v7;
	v9 =	vmul.u32 $0x2710, v3;
	v1 =	vld [tilespmem:s15+$0x40];
	[tilespmem:s15+$0x4F70] =	vst v10  }
.Ltmp0:
0x34: {  	[tilespmem:s15+$0x7680] =	vst v7;
	v3 =	vadd.s32 v3, v4;
	v7 =	vmul.u32 $0x2710, v6;
	v4 =	vld [tilespmem:s15+$0x27C0];
	(pc) =	sbr.rel @p0 .LBB2_2-.Ltmp0, $4  }
0x35: {  	[tilespmem:s15+$0x4F10] =	vst v3;
	v5 =	vadd.s32 v5, v9;
	v9 =	vmul.u32 $0x2710, v2;
	v3 =	vld [tilespmem:s15+$0x50]  }
0x36: {  	[tilespmem:s15+$0x7690] =	vst v5;
	v2 =	vadd.s32 v2, v7;
	v10 =	vmul.u32 $0x2710, v0;
	v5 =	vld [tilespmem:s15+$0x27D0]  }
0x37: {  	[tilespmem:s15+$0x4F20] =	vst v2;
	v6 =	vadd.s32 v6, v9;
	v7 =	vmul.u32 $0x2710, v8;
	v2 =	vld [tilespmem:s15+$0x60]  }
0x38: {  	s16 =	sshra.s32 s17, $0x2;
	s17 =	sadd.s32 $0x200, s17;
	[tilespmem:s15+$0x76A0] =	vst v6;
	v9 =	vadd.s32 v8, v10;
	v8 =	vmul.u32 $0x2710, v1;
	v6 =	vld [tilespmem:s15+$0x27E0]  }
0x39: {  	v10 =	vld [tilespmem:s16+$0x27F0];
	[tilespmem:s15+$0x4F30] =	vst v9;
	v0 =	vadd.s32 v0, v7;
	v19 =	vmul.u32 $0x2710, v4  }
0x3a: {  	v18 =	vld [tilespmem:s16+$0x0];
	[tilespmem:s15+$0x76B0] =	vst v0;
	v20 =	vadd.s32 v4, v8;
	v22 =	vmul.u32 $0x2710, v3  }
0x3b: {  	v21 =	vld [tilespmem:s16+$0x70];
	[tilespmem:s15+$0x4F40] =	vst v20;
	v0 =	vadd.s32 v1, v19;
	v24 =	vmul.u32 $0x2710, v5  }
0x3c: {  	v23 =	vld [tilespmem:s16+$0x2780];
	[tilespmem:s15+$0x76C0] =	vst v0;
	v4 =	vadd.s32 v5, v22;
	v26 =	vmul.u32 $0x2710, v2  }
0x3d: {  	v25 =	vld [tilespmem:s16+$0x10];
	[tilespmem:s15+$0x4F50] =	vst v4;
	v0 =	vadd.s32 v3, v24;
	v28 =	vmul.u32 $0x2710, v6  }
0x3e: {  	v27 =	vld [tilespmem:s16+$0x2790];
	[tilespmem:s15+$0x76D0] =	vst v0;
	v4 =	vadd.s32 v6, v26;
	v30 =	vmul.u32 $0x2710, v10  }
0x3f: {  	v29 =	vld [tilespmem:s16+$0x20];
	[tilespmem:s15+$0x4F60] =	vst v4;
	v0 =	vadd.s32 v2, v28;
	v32 =	vmul.u32 $0x2710, v18  }
0x40: {  	v31 =	vld [tilespmem:s16+$0x27A0];
	[tilespmem:s15+$0x76E0] =	vst v0;
	v33 =	vadd.s32 v21, v30;
	v35 =	vmul.u32 $0x2710, v21  }
0x41: {  	v34 =	vld [tilespmem:s16+$0x30];
	v9 =	vadd.s32 v23, v32;
	[tilespmem:s16+$0x76F0] =	vst v33;
	v1 =	vmul.u32 $0x2710, v23  }
0x42: {  	v36 =	vld [tilespmem:s16+$0x27B0];
	[tilespmem:s16+$0x4F00] =	vst v9;
	v0 =	vadd.s32 v10, v35;
	v38 =	vmul.u32 $0x2710, v25  }
0x43: {  	v37 =	vld [tilespmem:s16+$0x40];
	v1 =	vadd.s32 v18, v1;
	[tilespmem:s16+$0x4F70] =	vst v0;
	v39 =	vmul.u32 $0x2710, v27  }
0x44: {  	v41 =	vld [tilespmem:s16+$0x27C0];
	[tilespmem:s16+$0x7680] =	vst v1;
	v40 =	vadd.s32 v27, v38;
	v42 =	vmul.u32 $0x2710, v29  }
0x45: {  	v43 =	vld [tilespmem:s16+$0x50];
	[tilespmem:s16+$0x4F10] =	vst v40;
	v0 =	vadd.s32 v25, v39;
	v44 =	vmul.u32 $0x2710, v31  }
0x46: {  	v45 =	vld [tilespmem:s16+$0x27D0];
	[tilespmem:s16+$0x7690] =	vst v0;
	v1 =	vadd.s32 v31, v42;
	v46 =	vmul.u32 $0x2710, v34  }
0x47: {  	v47 =	vld [tilespmem:s16+$0x60];
	v48 =	vmul.u32 $0x2710, v36;
	[tilespmem:s16+$0x4F20] =	vst v1;
	v0 =	vadd.s32 v29, v44  }
0x48: {  	v51 =	vld [tilespmem:s16+$0x27E0];
	v50 =	vmul.u32 $0x2710, v37;
	[tilespmem:s16+$0x76A0] =	vst v0;
	v49 =	vadd.s32 v36, v46  }
0x49: {  	v53 =	vmul.u32 $0x2710, v41;
	v52 =	vadd.s32 v34, v48;
	[tilespmem:s16+$0x4F30] =	vst v49  }
0x4a: {  	v55 =	vmul.u32 $0x2710, v43;
	v54 =	vadd.s32 v41, v50;
	[tilespmem:s16+$0x76B0] =	vst v52  }
0x4b: {  	v57 =	vmul.u32 $0x2710, v45;
	v56 =	vadd.s32 v37, v53;
	[tilespmem:s16+$0x4F40] =	vst v54  }
0x4c: {  	v59 =	vmul.u32 $0x2710, v47;
	v58 =	vadd.s32 v45, v55;
	[tilespmem:s16+$0x76C0] =	vst v56  }
0x4d: {  	v61 =	vmul.u32 $0x2710, v51;
	v60 =	vadd.s32 v43, v57;
	[tilespmem:s16+$0x4F50] =	vst v58  }
0x4e: {  	v62 =	vadd.s32 v51, v59;
	[tilespmem:s16+$0x76D0] =	vst v60  }
0x4f: {  	v63 =	vadd.s32 v47, v61;
	[tilespmem:s16+$0x4F60] =	vst v62  }
0x50: {  	[tilespmem:s16+$0x76E0] =	vst v63  }
0x51: {  	[hbm4b:s2+s9] =	stream.indirect.scatter [tilespmem:s10], [sflag:$0x1], $0x1, s11, s9, $0xb8;
	[tilespmem:$0xC580] =	vst v63  }
0x52: {  	s14 =	sadd.s32 $0x1, s14  }
0x53: {  	[hbm4b:s2+s9] =	stream.indirect.scatter [tilespmem:s10], [sflag:$0x1], $0x1, s12, s9, $0xb8;
	[tilespmem:$0xC580] =	vst v63  }
0x54: {  	p0 =	sne.s32 s14, s7;
	_ =	swait.ge [sflag:s13], $0x2780  }
.Ltmp1:
0x55: {  	[sflag:s13] =	ssyncset.done $0x0;
	(pc) =	sbr.rel @p0 .LBB2_1-.Ltmp1, $4  }
0x56: {  	[sflag:s13] =	ssyncadd.s32 $0xFFFFD880  }
0x57: {  	_ =	swait.ge [sflag:s13], $0x2780  }
0x58: {  	[sflag:s13] =	ssyncset.done $0x0  }
0x59: {  	[sflag:s13] =	ssyncadd.s32 $0xFFFFD880  }
0x5a: {  	_ =	sfence.sel $0x180000  }
0x5b: {  	[bflag:$0x0] =	sbarrier.arrive $0xFFFF  }
0x5c: {  	p0 =	sne.s32 s0, $0x0;
	_ =	strace $0x9000004A  }
0x5d: {  	s0 =	sadd.s32 @!p0 $0x100000, s1;
	[bflag:$0x2] =	sbarrier.arrive $0xFFFF  }
0x5e: {  	[sflag:s0] =	ssyncadd.tile.s32 @!p0 $0x1;
	_ =	shalt  }
.Lfunc_end2:
_tile_overlayer_lowered:
.L_overlay_start_2:
0x5f: {  	(tag) =	ssettag $0x2  }
0x60: {  	s0 =	rddreg [dreg:$0x0];
	s2 =	stileid.u32  }
0x61: {  	s1 =	rddreg [dreg:$0x1];
	p0 =	sne.s32 s2, $0x0  }
0x62: {  	s3 =	rddreg [dreg:$0x2];
	[bflag:$0x3] =	sbarrier.arrive $0xFFFF;
	s2 =	simm.s32 @!p0 $0x1C02  }
0x63: {  	[timem:s3], [sflag:s2] =	dma.local @!p0 [hbm:s0], s1  }
0x64: {  	s0 =	simm.s32 @!p0 $0x2  }
0x65: {  	_ =	swait.ge @!p0 [sflag:s0], s1  }
0x66: {  	s1 =	ssub.s32 @!p0 $0x0, s1;
	[sflag:s0] =	ssyncset.done @!p0 $0x0  }
0x67: {  	[sflag:s0] =	ssyncadd.s32 @!p0 s1  }
0x68: {  	[bflag:$0x3] =	sbarrier.arrive $0xFFFF  }
0x69: {  	_ =	shalt  }

</sc_bundles>
